<compile_context>
chip_gen: v7x
topology: tpu7x:2x2x1
jax: 0.10.2.dev20260603
libtpu: 0.0.44.dev20260713+nightly
codegen_flags: <defaults>
</compile_context>

<pallas_src>
import jax
import jax.numpy as jnp
from jax import lax
from jax.experimental import pallas as pl
from jax.experimental.pallas import tpu as pltpu
from jax.experimental.pallas import tpu_sc as plsc

ROWS = 16384
C = 1000
CPAD = 1024
BLK = 2048
GRID = ROWS // BLK

NS = 16
PER_W = ROWS // NS
CHUNKS = PER_W // 128
WPB = BLK // PER_W
TAIL = C - 7 * 128


def _argmax_body(p_ref, enc_ref):
    x = p_ref[...]
    amax = jnp.argmax(x, axis=1).astype(jnp.int32)
    enc_ref[...] = amax.reshape(WPB, CHUNKS, 128)


def _hist_body(amax_hbm, tgt_hbm, out_hbm, idx_v, tgt_v, ones_v, zeros_v,
               fold_v, sem, shared_bins):
    wid = lax.axis_index("s")

    def fill(j, c):
        ones_v[pl.ds(j * 16, 16)] = jnp.full((16,), 1.0, jnp.float32)
        zeros_v[pl.ds(j * 16, 16)] = jnp.zeros((16,), jnp.float32)
        return c

    lax.fori_loop(0, 128 // 16, fill, 0)
    pltpu.sync_copy(amax_hbm.at[wid], idx_v)
    pltpu.sync_copy(tgt_hbm.at[pl.ds(wid * PER_W, PER_W)], tgt_v)
    pltpu.sync_copy(zeros_v, shared_bins.at[pl.ds(wid * 128, 128)])

    def enc(i, c):
        j = i // 8
        k = i % 8
        a = idx_v[j, pl.ds(k * 16, 16)]
        t = tgt_v[pl.ds(j * 128 + k * 16, 16)]
        idx_v[j, pl.ds(k * 16, 16)] = jnp.where(a == t, a + CPAD, a)
        return c

    lax.fori_loop(0, CHUNKS * 8, enc, 0)
    plsc.subcore_barrier()

    copies = [
        pltpu.async_copy(ones_v, shared_bins.at[idx_v.at[j]], sem, add=True)
        for j in range(CHUNKS)
    ]
    for cp in copies:
        cp.wait()
    plsc.subcore_barrier()

    tp_w = wid % 8

    @pl.when(wid < 7)
    def _tp_full():
        pltpu.sync_copy(shared_bins.at[pl.ds(CPAD + tp_w * 128, 128)],
                        out_hbm.at[pl.ds(tp_w * 128, 128)])

    @pl.when(wid == 7)
    def _tp_tail():
        pltpu.sync_copy(shared_bins.at[pl.ds(CPAD + 7 * 128, 128)],
                        fold_v.at[pl.ds(0, 128)])
        pltpu.sync_copy(fold_v.at[pl.ds(0, TAIL)],
                        out_hbm.at[pl.ds(7 * 128, TAIL)])

    @pl.when(wid >= 8)
    def _tot():
        pltpu.sync_copy(shared_bins.at[pl.ds(tp_w * 128, 128)],
                        fold_v.at[pl.ds(0, 128)])
        pltpu.sync_copy(shared_bins.at[pl.ds(CPAD + tp_w * 128, 128)],
                        fold_v.at[pl.ds(128, 128)])

        def fc(j, c):
            fold_v[pl.ds(j * 16, 16)] += fold_v[pl.ds(128 + j * 16, 16)]
            return c

        lax.fori_loop(0, 8, fc, 0)

    @pl.when((wid >= 8) & (wid < 15))
    def _tot_full():
        pltpu.sync_copy(fold_v.at[pl.ds(0, 128)],
                        out_hbm.at[pl.ds(C + tp_w * 128, 128)])

    @pl.when(wid == 15)
    def _tot_tail():
        pltpu.sync_copy(fold_v.at[pl.ds(0, TAIL)],
                        out_hbm.at[pl.ds(C + 7 * 128, TAIL)])


def kernel(preds, targets):
    amax = pl.pallas_call(
        _argmax_body,
        grid=(GRID,),
        in_specs=[pl.BlockSpec((BLK, C), lambda i: (i, 0))],
        out_specs=pl.BlockSpec((WPB, CHUNKS, 128), lambda i: (i, 0, 0)),
        out_shape=jax.ShapeDtypeStruct((NS, CHUNKS, 128), jnp.int32),
    )(preds)

    mesh = plsc.VectorSubcoreMesh(
        core_axis_name="c", subcore_axis_name="s", num_cores=1
    )
    out = pl.kernel(
        _hist_body,
        mesh=mesh,
        out_type=jax.ShapeDtypeStruct((2 * C,), jnp.float32),
        scratch_types=[
            pltpu.VMEM((CHUNKS, 128), jnp.int32),
            pltpu.VMEM((PER_W,), jnp.int32),
            pltpu.VMEM((128,), jnp.float32),
            pltpu.VMEM((128,), jnp.float32),
            pltpu.VMEM((2 * 128,), jnp.float32),
            pltpu.SemaphoreType.DMA,
            pltpu.VMEM_SHARED((2 * CPAD,), jnp.float32),
        ],
    )(amax, targets.astype(jnp.int32))
    return out.reshape(2, C)

# --- scband reference (transcript-rebuilt; emitter-appended) ---
"""Pipeline reference for scband-precision-77438260347416 (READ-ONLY COPY).

The authoritative reference and input builder live on the scoring server;
editing this copy changes nothing except your own understanding.
"""

import jax, jax.numpy as jnp
import numpy as np

NUM_CLASSES = 1000


def setup_inputs(seed: int = 0) -> dict:
    key = jax.random.key(seed)
    k1, k2 = jax.random.split(key)
    preds = jax.random.normal(k1, (16384, NUM_CLASSES), dtype=jnp.float32)
    targets = jax.random.randint(k2, (16384,), 0, NUM_CLASSES, dtype=jnp.int64)
    return {"preds": preds, "targets": targets}


def _to_onehot(indices, num_classes):
    # faithful to torch scatter_-based one-hot: [B, C]
    onehot = jnp.zeros((indices.shape[0], num_classes), dtype=jnp.float32)
    onehot = onehot.at[jnp.arange(indices.shape[0]), indices].set(1.0)
    return onehot


def reference(preds, targets):
    y = _to_onehot(targets.astype(jnp.int32), NUM_CLASSES)
    pred_indices = jnp.argmax(preds, axis=1)
    y_pred = _to_onehot(pred_indices.reshape(-1), NUM_CLASSES)
    tp = jnp.zeros((NUM_CLASSES,), dtype=jnp.float32) + (y_pred * y).sum(axis=0)
    total = jnp.zeros((NUM_CLASSES,), dtype=jnp.float32) + y_pred.sum(axis=0)
    return jnp.stack([tp, total])

if __name__ == "__main__":
    import jax
    _d = setup_inputs()
    print(jax.jit(kernel)(*tuple(_d.values())))

</pallas_src>

<mosaic_0001>
#map = affine_map<(d0, d1) -> (0, 0, 0)>
#map1 = affine_map<(d0, d1) -> (0)>
module attributes {stable_mosaic.version = 14 : i64} {
  func.func @_hist_body(%arg0: i32, %arg1: i32, %arg2: memref<16x8x128xi32, #tpu.memory_space<hbm>>, %arg3: memref<16384xi32, #tpu.memory_space<hbm>>, %arg4: memref<2000xf32, #tpu.memory_space<hbm>>, %arg5: memref<8x128xi32, #tpu.memory_space<vmem>>, %arg6: memref<1024xi32, #tpu.memory_space<vmem>>, %arg7: memref<128xf32, #tpu.memory_space<vmem>>, %arg8: memref<128xf32, #tpu.memory_space<vmem>>, %arg9: memref<256xf32, #tpu.memory_space<vmem>>, %arg10: memref<!tpu.dma_semaphore, #tpu.memory_space<semaphore_mem>>, %arg11: memref<2048xf32, #tpu.memory_space<vmem_shared>>) attributes {dimension_semantics = [#tpu.dimension_semantics<core_parallel>, #tpu.dimension_semantics<subcore_parallel>], iteration_bounds = array<i64: 1, 16>, scalar_prefetch = 0 : i64, scratch_operands = 7 : i64, tpu.core_type = #tpu.core_type<sc_vector_subcore>, window_params = [{transform_indices = #map}, {transform_indices = #map1}, {transform_indices = #map1}]} {
    %scan3A = arith.constant 0 : i32
    %scan3A_0 = arith.constant 0 : i32
    %scan3A_1 = arith.constant 8 : i32
    %scan3A_2 = arith.addi %scan3A_0, %scan3A_1 : i32
    %scan3A_3 = arith.constant 1 : i32
    scf.for %scan3A_142 = %scan3A_0 to %scan3A_2 step %scan3A_3  : i32 {
      %broadcast_in_dim3A = arith.constant 1.000000e+00 : f32
      %broadcast_in_dim3A_143 = vector.broadcast %broadcast_in_dim3A : f32 to vector<16xf32>
      %mul3A_144 = arith.constant 16 : i32
      %mul3A_145 = arith.muli %scan3A_142, %mul3A_144 : i32
      %swap3A = arith.index_cast %mul3A_145 : i32 to index
      %swap3A_146 = tpu.vector_load %arg7[%swap3A] {strides = array<i32>} : memref<128xf32, #tpu.memory_space<vmem>>, vector<16xf32>,
      %swap3A_147 = vector.shape_cast %swap3A_146 : vector<16xf32> to vector<16xf32>
      %swap3A_148 = vector.shape_cast %broadcast_in_dim3A_143 : vector<16xf32> to vector<16xf32>
      tpu.vector_store %arg7[%swap3A], %swap3A_148 {strides = array<i32>} : memref<128xf32, #tpu.memory_space<vmem>>, vector<16xf32>,
      %broadcast_in_dim3A_149 = arith.constant 0.000000e+00 : f32
      %broadcast_in_dim3A_150 = vector.broadcast %broadcast_in_dim3A_149 : f32 to vector<16xf32>
      %mul3A_151 = arith.constant 16 : i32
      %mul3A_152 = arith.muli %scan3A_142, %mul3A_151 : i32
      %swap3A_153 = arith.index_cast %mul3A_152 : i32 to index
      %swap3A_154 = tpu.vector_load %arg8[%swap3A_153] {strides = array<i32>} : memref<128xf32, #tpu.memory_space<vmem>>, vector<16xf32>,
      %swap3A_155 = vector.shape_cast %swap3A_154 : vector<16xf32> to vector<16xf32>
      %swap3A_156 = vector.shape_cast %broadcast_in_dim3A_150 : vector<16xf32> to vector<16xf32>
      tpu.vector_store %arg8[%swap3A_153], %swap3A_156 {strides = array<i32>} : memref<128xf32, #tpu.memory_space<vmem>>, vector<16xf32>,
    }
    %scan3A_4 = arith.constant 8 : i32
    "tpu.region"() ({
      %run_scoped3A = tpu.sem_alloc : memref<!tpu.dma_semaphore, #tpu.memory_space<semaphore_mem>>
      %dma_start3A_142 = arith.constant 0 : i32
      %dma_start3A_143 = arith.constant 0 : i32
      %dma_start3A_144 = tpu.memref_slice %arg2[%arg1, %dma_start3A_142, %dma_start3A_143] : memref<16x8x128xi32, #tpu.memory_space<hbm>> -> memref<1x8x128xi32, #tpu.memory_space<hbm>>
      %dma_start3A_145 = tpu.memref_squeeze %dma_start3A_144 : memref<1x8x128xi32, #tpu.memory_space<hbm>> -> memref<8x128xi32, #tpu.memory_space<hbm>>
      %dma_start3A_146 = arith.constant 0 : i32
      %dma_start3A_147 = arith.constant 0 : i32
      %dma_start3A_148 = tpu.memref_slice %arg2[%arg1, %dma_start3A_146, %dma_start3A_147] : memref<16x8x128xi32, #tpu.memory_space<hbm>> -> memref<1x8x128xi32, #tpu.memory_space<hbm>>
      %dma_start3A_149 = tpu.memref_squeeze %dma_start3A_148 : memref<1x8x128xi32, #tpu.memory_space<hbm>> -> memref<8x128xi32, #tpu.memory_space<hbm>>
      tpu.enqueue_dma source(%dma_start3A_149 : memref<8x128xi32, #tpu.memory_space<hbm>>) target(%arg5 : memref<8x128xi32, #tpu.memory_space<vmem>>) target_semaphore(%run_scoped3A : memref<!tpu.dma_semaphore, #tpu.memory_space<semaphore_mem>>)
      %dma_wait3A_150 = arith.constant 0 : i32
      %dma_wait3A_151 = arith.constant 0 : i32
      %dma_wait3A_152 = tpu.memref_slice %arg2[%arg1, %dma_wait3A_150, %dma_wait3A_151] : memref<16x8x128xi32, #tpu.memory_space<hbm>> -> memref<1x8x128xi32, #tpu.memory_space<hbm>>
      %dma_wait3A_153 = tpu.memref_squeeze %dma_wait3A_152 : memref<1x8x128xi32, #tpu.memory_space<hbm>> -> memref<8x128xi32, #tpu.memory_space<hbm>>
      %dma_wait3A_154 = arith.constant 0 : i32
      %dma_wait3A_155 = arith.constant 0 : i32
      %dma_wait3A_156 = tpu.memref_slice %arg2[%arg1, %dma_wait3A_154, %dma_wait3A_155] : memref<16x8x128xi32, #tpu.memory_space<hbm>> -> memref<1x8x128xi32, #tpu.memory_space<hbm>>
      %dma_wait3A_157 = tpu.memref_squeeze %dma_wait3A_156 : memref<1x8x128xi32, #tpu.memory_space<hbm>> -> memref<8x128xi32, #tpu.memory_space<hbm>>
      tpu.wait_dma2 semaphore(%run_scoped3A : memref<!tpu.dma_semaphore, #tpu.memory_space<semaphore_mem>>) src(%dma_wait3A_157 : memref<8x128xi32, #tpu.memory_space<hbm>>) dst(%arg5 : memref<8x128xi32, #tpu.memory_space<vmem>>)
      tpu.yield
    }) : () -> ()
    %mul3A = arith.constant 1024 : i32
    %mul3A_5 = arith.muli %arg1, %mul3A : i32
    "tpu.region"() ({
      %run_scoped3A = tpu.sem_alloc : memref<!tpu.dma_semaphore, #tpu.memory_space<semaphore_mem>>
      %dma_start3A_142 = tpu.memref_slice %arg3[%mul3A_5] : memref<16384xi32, #tpu.memory_space<hbm>> -> memref<1024xi32, #tpu.memory_space<hbm>>
      %dma_start3A_143 = tpu.memref_slice %arg3[%mul3A_5] : memref<16384xi32, #tpu.memory_space<hbm>> -> memref<1024xi32, #tpu.memory_space<hbm>>
      tpu.enqueue_dma source(%dma_start3A_143 : memref<1024xi32, #tpu.memory_space<hbm>>) target(%arg6 : memref<1024xi32, #tpu.memory_space<vmem>>) target_semaphore(%run_scoped3A : memref<!tpu.dma_semaphore, #tpu.memory_space<semaphore_mem>>)
      %dma_wait3A_144 = tpu.memref_slice %arg3[%mul3A_5] : memref<16384xi32, #tpu.memory_space<hbm>> -> memref<1024xi32, #tpu.memory_space<hbm>>
      %dma_wait3A_145 = tpu.memref_slice %arg3[%mul3A_5] : memref<16384xi32, #tpu.memory_space<hbm>> -> memref<1024xi32, #tpu.memory_space<hbm>>
      tpu.wait_dma2 semaphore(%run_scoped3A : memref<!tpu.dma_semaphore, #tpu.memory_space<semaphore_mem>>) src(%dma_wait3A_145 : memref<1024xi32, #tpu.memory_space<hbm>>) dst(%arg6 : memref<1024xi32, #tpu.memory_space<vmem>>)
      tpu.yield
    }) : () -> ()
    %mul3A_6 = arith.constant 128 : i32
    %mul3A_7 = arith.muli %arg1, %mul3A_6 : i32
    "tpu.region"() ({
      %run_scoped3A = tpu.sem_alloc : memref<!tpu.dma_semaphore, #tpu.memory_space<semaphore_mem>>
      %dma_start3A_142 = tpu.memref_slice %arg11[%mul3A_7] : memref<2048xf32, #tpu.memory_space<vmem_shared>> -> memref<128xf32, #tpu.memory_space<vmem_shared>>
      %dma_start3A_143 = tpu.memref_slice %arg11[%mul3A_7] : memref<2048xf32, #tpu.memory_space<vmem_shared>> -> memref<128xf32, #tpu.memory_space<vmem_shared>>
      tpu.enqueue_dma source(%arg8 : memref<128xf32, #tpu.memory_space<vmem>>) target(%dma_start3A_143 : memref<128xf32, #tpu.memory_space<vmem_shared>>) target_semaphore(%run_scoped3A : memref<!tpu.dma_semaphore, #tpu.memory_space<semaphore_mem>>)
      %dma_wait3A_144 = tpu.memref_slice %arg11[%mul3A_7] : memref<2048xf32, #tpu.memory_space<vmem_shared>> -> memref<128xf32, #tpu.memory_space<vmem_shared>>
      %dma_wait3A_145 = tpu.memref_slice %arg11[%mul3A_7] : memref<2048xf32, #tpu.memory_space<vmem_shared>> -> memref<128xf32, #tpu.memory_space<vmem_shared>>
      tpu.wait_dma2 semaphore(%run_scoped3A : memref<!tpu.dma_semaphore, #tpu.memory_space<semaphore_mem>>) src(%arg8 : memref<128xf32, #tpu.memory_space<vmem>>) dst(%dma_wait3A_145 : memref<128xf32, #tpu.memory_space<vmem_shared>>)
      tpu.yield
    }) : () -> ()
    %scan3A_8 = arith.constant 0 : i32
    %scan3A_9 = arith.constant 0 : i32
    %scan3A_10 = arith.constant 64 : i32
    %scan3A_11 = arith.addi %scan3A_9, %scan3A_10 : i32
    %scan3A_12 = arith.constant 1 : i32
    scf.for %scan3A_142 = %scan3A_9 to %scan3A_11 step %scan3A_12  : i32 {
      %jit3A_143 = arith.constant 8 : i32
      %div3A = arith.divsi %scan3A_142, %jit3A_143 : i32
      %sign3A = arith.constant 0 : i32
      %sign3A_144 = arith.cmpi sgt, %scan3A_142, %sign3A : i32
      %sign3A_145 = arith.extui %sign3A_144 : i1 to i32
      %sign3A_146 = arith.constant 0 : i32
      %sign3A_147 = arith.cmpi slt, %scan3A_142, %sign3A_146 : i32
      %sign3A_148 = arith.extui %sign3A_147 : i1 to i32
      %sign3A_149 = arith.subi %sign3A_145, %sign3A_148 : i32
      %sign3A_150 = arith.constant 0 : i32
      %sign3A_151 = arith.cmpi sgt, %jit3A_143, %sign3A_150 : i32
      %sign3A_152 = arith.extui %sign3A_151 : i1 to i32
      %sign3A_153 = arith.constant 0 : i32
      %sign3A_154 = arith.cmpi slt, %jit3A_143, %sign3A_153 : i32
      %sign3A_155 = arith.extui %sign3A_154 : i1 to i32
      %sign3A_156 = arith.subi %sign3A_152, %sign3A_155 : i32
      %ne3A_157 = arith.cmpi ne, %sign3A_149, %sign3A_156 : i32
      %rem3A_158 = arith.remsi %scan3A_142, %jit3A_143 : i32
      %ne3A_159 = arith.constant 0 : i32
      %ne3A_160 = arith.cmpi ne, %rem3A_158, %ne3A_159 : i32
      %and3A_161 = arith.andi %ne3A_157, %ne3A_160 : i1
      %sub3A = arith.constant 1 : i32
      %sub3A_162 = arith.subi %div3A, %sub3A : i32
      %select_n3A_163 = arith.select %and3A_161, %sub3A_162, %div3A : i32
      %jit3A_164 = arith.constant 8 : i32
      %eq3A_165 = arith.constant 0 : i32
      %eq3A_166 = arith.cmpi eq, %jit3A_164, %eq3A_165 : i32
      %jit3A_167 = arith.constant 1 : i32
      %select_n3A_168 = arith.select %eq3A_166, %jit3A_167, %jit3A_164 : i32
      %rem3A_169 = arith.remsi %scan3A_142, %select_n3A_168 : i32
      %ne3A_170 = arith.constant 0 : i32
      %ne3A_171 = arith.cmpi ne, %rem3A_169, %ne3A_170 : i32
      %lt3A_172 = arith.constant 0 : i32
      %lt3A_173 = arith.cmpi slt, %rem3A_169, %lt3A_172 : i32
      %lt3A_174 = arith.constant 0 : i32
      %lt3A_175 = arith.cmpi slt, %select_n3A_168, %lt3A_174 : i32
      %ne3A_176 = arith.xori %lt3A_173, %lt3A_175 : i1
      %and3A_177 = arith.andi %ne3A_176, %ne3A_171 : i1
      %add3A_178 = arith.addi %rem3A_169, %select_n3A_168 : i32
      %select_n3A_179 = arith.select %and3A_177, %add3A_178, %rem3A_169 : i32
      %mul3A_180 = arith.constant 16 : i32
      %mul3A_181 = arith.muli %select_n3A_179, %mul3A_180 : i32
      %get3A = arith.index_cast %select_n3A_163 : i32 to index
      %get3A_182 = arith.index_cast %mul3A_181 : i32 to index
      %get3A_183 = tpu.vector_load %arg5[%get3A, %get3A_182] {strides = array<i32>} : memref<8x128xi32, #tpu.memory_space<vmem>>, vector<1x16xi32>,
      %get3A_184 = vector.shape_cast %get3A_183 : vector<1x16xi32> to vector<16xi32>
      %mul3A_185 = arith.constant 128 : i32
      %mul3A_186 = arith.muli %select_n3A_163, %mul3A_185 : i32
      %mul3A_187 = arith.constant 16 : i32
      %mul3A_188 = arith.muli %select_n3A_179, %mul3A_187 : i32
      %add3A_189 = arith.addi %mul3A_186, %mul3A_188 : i32
      %get3A_190 = arith.index_cast %add3A_189 : i32 to index
      %get3A_191 = tpu.vector_load %arg6[%get3A_190] {strides = array<i32>} : memref<1024xi32, #tpu.memory_space<vmem>>, vector<16xi32>,
      %get3A_192 = vector.shape_cast %get3A_191 : vector<16xi32> to vector<16xi32>
      %eq3A_193 = arith.cmpi eq, %get3A_184, %get3A_192 : vector<16xi32>
      %add3A_194 = arith.constant 1024 : i32
      %add3A_195 = vector.broadcast %add3A_194 : i32 to vector<16xi32>
      %add3A_196 = arith.addi %get3A_184, %add3A_195 : vector<16xi32>
      %select_n3A_197 = arith.select %eq3A_193, %add3A_196, %get3A_184 : vector<16xi1>, vector<16xi32>
      %mul3A_198 = arith.constant 16 : i32
      %mul3A_199 = arith.muli %select_n3A_179, %mul3A_198 : i32
      %swap3A = arith.index_cast %select_n3A_163 : i32 to index
      %swap3A_200 = arith.index_cast %mul3A_199 : i32 to index
      %swap3A_201 = tpu.vector_load %arg5[%swap3A, %swap3A_200] {strides = array<i32>} : memref<8x128xi32, #tpu.memory_space<vmem>>, vector<1x16xi32>,
      %swap3A_202 = vector.shape_cast %swap3A_201 : vector<1x16xi32> to vector<16xi32>
      %swap3A_203 = vector.shape_cast %select_n3A_197 : vector<16xi32> to vector<1x16xi32>
      tpu.vector_store %arg5[%swap3A, %swap3A_200], %swap3A_203 {strides = array<i32>} : memref<8x128xi32, #tpu.memory_space<vmem>>, vector<1x16xi32>,
    }
    %scan3A_13 = arith.constant 64 : i32
    %barrier3A = arith.constant 0 : index
    tpu.barrier barrier_id(%barrier3A)
    %dma_start3A = arith.constant 0 : i32
    %dma_start3A_14 = arith.constant 0 : i32
    %dma_start3A_15 = tpu.memref_slice %arg5[%dma_start3A, %dma_start3A_14] : memref<8x128xi32, #tpu.memory_space<vmem>> -> memref<1x128xi32, #tpu.memory_space<vmem>>
    %dma_start3A_16 = tpu.memref_squeeze %dma_start3A_15 : memref<1x128xi32, #tpu.memory_space<vmem>> -> memref<128xi32, #tpu.memory_space<vmem>>
    %dma_start3A_17 = arith.constant 0 : i32
    %dma_start3A_18 = tpu.memref_slice %arg11[%dma_start3A_17] : memref<2048xf32, #tpu.memory_space<vmem_shared>> -> memref<2048xf32, #tpu.memory_space<vmem_shared>>
    tpu.enqueue_indirect_dma source(%arg7 : memref<128xf32, #tpu.memory_space<vmem>>) target(%dma_start3A_18 : memref<2048xf32, #tpu.memory_space<vmem_shared>>) offsets(%dma_start3A_16 : memref<128xi32, #tpu.memory_space<vmem>>) semaphore(%arg10 : memref<!tpu.dma_semaphore, #tpu.memory_space<semaphore_mem>>) {add = true}
    %dma_start3A_19 = arith.constant 1 : i32
    %dma_start3A_20 = arith.constant 0 : i32
    %dma_start3A_21 = tpu.memref_slice %arg5[%dma_start3A_19, %dma_start3A_20] : memref<8x128xi32, #tpu.memory_space<vmem>> -> memref<1x128xi32, #tpu.memory_space<vmem>>
    %dma_start3A_22 = tpu.memref_squeeze %dma_start3A_21 : memref<1x128xi32, #tpu.memory_space<vmem>> -> memref<128xi32, #tpu.memory_space<vmem>>
    %dma_start3A_23 = arith.constant 0 : i32
    %dma_start3A_24 = tpu.memref_slice %arg11[%dma_start3A_23] : memref<2048xf32, #tpu.memory_space<vmem_shared>> -> memref<2048xf32, #tpu.memory_space<vmem_shared>>
    tpu.enqueue_indirect_dma source(%arg7 : memref<128xf32, #tpu.memory_space<vmem>>) target(%dma_start3A_24 : memref<2048xf32, #tpu.memory_space<vmem_shared>>) offsets(%dma_start3A_22 : memref<128xi32, #tpu.memory_space<vmem>>) semaphore(%arg10 : memref<!tpu.dma_semaphore, #tpu.memory_space<semaphore_mem>>) {add = true}
    %dma_start3A_25 = arith.constant 2 : i32
    %dma_start3A_26 = arith.constant 0 : i32
    %dma_start3A_27 = tpu.memref_slice %arg5[%dma_start3A_25, %dma_start3A_26] : memref<8x128xi32, #tpu.memory_space<vmem>> -> memref<1x128xi32, #tpu.memory_space<vmem>>
    %dma_start3A_28 = tpu.memref_squeeze %dma_start3A_27 : memref<1x128xi32, #tpu.memory_space<vmem>> -> memref<128xi32, #tpu.memory_space<vmem>>
    %dma_start3A_29 = arith.constant 0 : i32
    %dma_start3A_30 = tpu.memref_slice %arg11[%dma_start3A_29] : memref<2048xf32, #tpu.memory_space<vmem_shared>> -> memref<2048xf32, #tpu.memory_space<vmem_shared>>
    tpu.enqueue_indirect_dma source(%arg7 : memref<128xf32, #tpu.memory_space<vmem>>) target(%dma_start3A_30 : memref<2048xf32, #tpu.memory_space<vmem_shared>>) offsets(%dma_start3A_28 : memref<128xi32, #tpu.memory_space<vmem>>) semaphore(%arg10 : memref<!tpu.dma_semaphore, #tpu.memory_space<semaphore_mem>>) {add = true}
    %dma_start3A_31 = arith.constant 3 : i32
    %dma_start3A_32 = arith.constant 0 : i32
    %dma_start3A_33 = tpu.memref_slice %arg5[%dma_start3A_31, %dma_start3A_32] : memref<8x128xi32, #tpu.memory_space<vmem>> -> memref<1x128xi32, #tpu.memory_space<vmem>>
    %dma_start3A_34 = tpu.memref_squeeze %dma_start3A_33 : memref<1x128xi32, #tpu.memory_space<vmem>> -> memref<128xi32, #tpu.memory_space<vmem>>
    %dma_start3A_35 = arith.constant 0 : i32
    %dma_start3A_36 = tpu.memref_slice %arg11[%dma_start3A_35] : memref<2048xf32, #tpu.memory_space<vmem_shared>> -> memref<2048xf32, #tpu.memory_space<vmem_shared>>
    tpu.enqueue_indirect_dma source(%arg7 : memref<128xf32, #tpu.memory_space<vmem>>) target(%dma_start3A_36 : memref<2048xf32, #tpu.memory_space<vmem_shared>>) offsets(%dma_start3A_34 : memref<128xi32, #tpu.memory_space<vmem>>) semaphore(%arg10 : memref<!tpu.dma_semaphore, #tpu.memory_space<semaphore_mem>>) {add = true}
    %dma_start3A_37 = arith.constant 4 : i32
    %dma_start3A_38 = arith.constant 0 : i32
    %dma_start3A_39 = tpu.memref_slice %arg5[%dma_start3A_37, %dma_start3A_38] : memref<8x128xi32, #tpu.memory_space<vmem>> -> memref<1x128xi32, #tpu.memory_space<vmem>>
    %dma_start3A_40 = tpu.memref_squeeze %dma_start3A_39 : memref<1x128xi32, #tpu.memory_space<vmem>> -> memref<128xi32, #tpu.memory_space<vmem>>
    %dma_start3A_41 = arith.constant 0 : i32
    %dma_start3A_42 = tpu.memref_slice %arg11[%dma_start3A_41] : memref<2048xf32, #tpu.memory_space<vmem_shared>> -> memref<2048xf32, #tpu.memory_space<vmem_shared>>
    tpu.enqueue_indirect_dma source(%arg7 : memref<128xf32, #tpu.memory_space<vmem>>) target(%dma_start3A_42 : memref<2048xf32, #tpu.memory_space<vmem_shared>>) offsets(%dma_start3A_40 : memref<128xi32, #tpu.memory_space<vmem>>) semaphore(%arg10 : memref<!tpu.dma_semaphore, #tpu.memory_space<semaphore_mem>>) {add = true}
    %dma_start3A_43 = arith.constant 5 : i32
    %dma_start3A_44 = arith.constant 0 : i32
    %dma_start3A_45 = tpu.memref_slice %arg5[%dma_start3A_43, %dma_start3A_44] : memref<8x128xi32, #tpu.memory_space<vmem>> -> memref<1x128xi32, #tpu.memory_space<vmem>>
    %dma_start3A_46 = tpu.memref_squeeze %dma_start3A_45 : memref<1x128xi32, #tpu.memory_space<vmem>> -> memref<128xi32, #tpu.memory_space<vmem>>
    %dma_start3A_47 = arith.constant 0 : i32
    %dma_start3A_48 = tpu.memref_slice %arg11[%dma_start3A_47] : memref<2048xf32, #tpu.memory_space<vmem_shared>> -> memref<2048xf32, #tpu.memory_space<vmem_shared>>
    tpu.enqueue_indirect_dma source(%arg7 : memref<128xf32, #tpu.memory_space<vmem>>) target(%dma_start3A_48 : memref<2048xf32, #tpu.memory_space<vmem_shared>>) offsets(%dma_start3A_46 : memref<128xi32, #tpu.memory_space<vmem>>) semaphore(%arg10 : memref<!tpu.dma_semaphore, #tpu.memory_space<semaphore_mem>>) {add = true}
    %dma_start3A_49 = arith.constant 6 : i32
    %dma_start3A_50 = arith.constant 0 : i32
    %dma_start3A_51 = tpu.memref_slice %arg5[%dma_start3A_49, %dma_start3A_50] : memref<8x128xi32, #tpu.memory_space<vmem>> -> memref<1x128xi32, #tpu.memory_space<vmem>>
    %dma_start3A_52 = tpu.memref_squeeze %dma_start3A_51 : memref<1x128xi32, #tpu.memory_space<vmem>> -> memref<128xi32, #tpu.memory_space<vmem>>
    %dma_start3A_53 = arith.constant 0 : i32
    %dma_start3A_54 = tpu.memref_slice %arg11[%dma_start3A_53] : memref<2048xf32, #tpu.memory_space<vmem_shared>> -> memref<2048xf32, #tpu.memory_space<vmem_shared>>
    tpu.enqueue_indirect_dma source(%arg7 : memref<128xf32, #tpu.memory_space<vmem>>) target(%dma_start3A_54 : memref<2048xf32, #tpu.memory_space<vmem_shared>>) offsets(%dma_start3A_52 : memref<128xi32, #tpu.memory_space<vmem>>) semaphore(%arg10 : memref<!tpu.dma_semaphore, #tpu.memory_space<semaphore_mem>>) {add = true}
    %dma_start3A_55 = arith.constant 7 : i32
    %dma_start3A_56 = arith.constant 0 : i32
    %dma_start3A_57 = tpu.memref_slice %arg5[%dma_start3A_55, %dma_start3A_56] : memref<8x128xi32, #tpu.memory_space<vmem>> -> memref<1x128xi32, #tpu.memory_space<vmem>>
    %dma_start3A_58 = tpu.memref_squeeze %dma_start3A_57 : memref<1x128xi32, #tpu.memory_space<vmem>> -> memref<128xi32, #tpu.memory_space<vmem>>
    %dma_start3A_59 = arith.constant 0 : i32
    %dma_start3A_60 = tpu.memref_slice %arg11[%dma_start3A_59] : memref<2048xf32, #tpu.memory_space<vmem_shared>> -> memref<2048xf32, #tpu.memory_space<vmem_shared>>
    tpu.enqueue_indirect_dma source(%arg7 : memref<128xf32, #tpu.memory_space<vmem>>) target(%dma_start3A_60 : memref<2048xf32, #tpu.memory_space<vmem_shared>>) offsets(%dma_start3A_58 : memref<128xi32, #tpu.memory_space<vmem>>) semaphore(%arg10 : memref<!tpu.dma_semaphore, #tpu.memory_space<semaphore_mem>>) {add = true}
    %dma_wait3A = arith.constant 0 : i32
    %dma_wait3A_61 = arith.constant 0 : i32
    %dma_wait3A_62 = tpu.memref_slice %arg5[%dma_wait3A, %dma_wait3A_61] : memref<8x128xi32, #tpu.memory_space<vmem>> -> memref<1x128xi32, #tpu.memory_space<vmem>>
    %dma_wait3A_63 = tpu.memref_squeeze %dma_wait3A_62 : memref<1x128xi32, #tpu.memory_space<vmem>> -> memref<128xi32, #tpu.memory_space<vmem>>
    %dma_wait3A_64 = arith.constant 0 : i32
    %dma_wait3A_65 = tpu.memref_slice %arg11[%dma_wait3A_64] : memref<2048xf32, #tpu.memory_space<vmem_shared>> -> memref<2048xf32, #tpu.memory_space<vmem_shared>>
    tpu.wait_indirect_dma semaphore(%arg10 : memref<!tpu.dma_semaphore, #tpu.memory_space<semaphore_mem>>) src(%arg7 : memref<128xf32, #tpu.memory_space<vmem>>) dst(%dma_wait3A_65 : memref<2048xf32, #tpu.memory_space<vmem_shared>>)
    %dma_wait3A_66 = arith.constant 1 : i32
    %dma_wait3A_67 = arith.constant 0 : i32
    %dma_wait3A_68 = tpu.memref_slice %arg5[%dma_wait3A_66, %dma_wait3A_67] : memref<8x128xi32, #tpu.memory_space<vmem>> -> memref<1x128xi32, #tpu.memory_space<vmem>>
    %dma_wait3A_69 = tpu.memref_squeeze %dma_wait3A_68 : memref<1x128xi32, #tpu.memory_space<vmem>> -> memref<128xi32, #tpu.memory_space<vmem>>
    %dma_wait3A_70 = arith.constant 0 : i32
    %dma_wait3A_71 = tpu.memref_slice %arg11[%dma_wait3A_70] : memref<2048xf32, #tpu.memory_space<vmem_shared>> -> memref<2048xf32, #tpu.memory_space<vmem_shared>>
    tpu.wait_indirect_dma semaphore(%arg10 : memref<!tpu.dma_semaphore, #tpu.memory_space<semaphore_mem>>) src(%arg7 : memref<128xf32, #tpu.memory_space<vmem>>) dst(%dma_wait3A_71 : memref<2048xf32, #tpu.memory_space<vmem_shared>>)
    %dma_wait3A_72 = arith.constant 2 : i32
    %dma_wait3A_73 = arith.constant 0 : i32
    %dma_wait3A_74 = tpu.memref_slice %arg5[%dma_wait3A_72, %dma_wait3A_73] : memref<8x128xi32, #tpu.memory_space<vmem>> -> memref<1x128xi32, #tpu.memory_space<vmem>>
    %dma_wait3A_75 = tpu.memref_squeeze %dma_wait3A_74 : memref<1x128xi32, #tpu.memory_space<vmem>> -> memref<128xi32, #tpu.memory_space<vmem>>
    %dma_wait3A_76 = arith.constant 0 : i32
    %dma_wait3A_77 = tpu.memref_slice %arg11[%dma_wait3A_76] : memref<2048xf32, #tpu.memory_space<vmem_shared>> -> memref<2048xf32, #tpu.memory_space<vmem_shared>>
    tpu.wait_indirect_dma semaphore(%arg10 : memref<!tpu.dma_semaphore, #tpu.memory_space<semaphore_mem>>) src(%arg7 : memref<128xf32, #tpu.memory_space<vmem>>) dst(%dma_wait3A_77 : memref<2048xf32, #tpu.memory_space<vmem_shared>>)
    %dma_wait3A_78 = arith.constant 3 : i32
    %dma_wait3A_79 = arith.constant 0 : i32
    %dma_wait3A_80 = tpu.memref_slice %arg5[%dma_wait3A_78, %dma_wait3A_79] : memref<8x128xi32, #tpu.memory_space<vmem>> -> memref<1x128xi32, #tpu.memory_space<vmem>>
    %dma_wait3A_81 = tpu.memref_squeeze %dma_wait3A_80 : memref<1x128xi32, #tpu.memory_space<vmem>> -> memref<128xi32, #tpu.memory_space<vmem>>
    %dma_wait3A_82 = arith.constant 0 : i32
    %dma_wait3A_83 = tpu.memref_slice %arg11[%dma_wait3A_82] : memref<2048xf32, #tpu.memory_space<vmem_shared>> -> memref<2048xf32, #tpu.memory_space<vmem_shared>>
    tpu.wait_indirect_dma semaphore(%arg10 : memref<!tpu.dma_semaphore, #tpu.memory_space<semaphore_mem>>) src(%arg7 : memref<128xf32, #tpu.memory_space<vmem>>) dst(%dma_wait3A_83 : memref<2048xf32, #tpu.memory_space<vmem_shared>>)
    %dma_wait3A_84 = arith.constant 4 : i32
    %dma_wait3A_85 = arith.constant 0 : i32
    %dma_wait3A_86 = tpu.memref_slice %arg5[%dma_wait3A_84, %dma_wait3A_85] : memref<8x128xi32, #tpu.memory_space<vmem>> -> memref<1x128xi32, #tpu.memory_space<vmem>>
    %dma_wait3A_87 = tpu.memref_squeeze %dma_wait3A_86 : memref<1x128xi32, #tpu.memory_space<vmem>> -> memref<128xi32, #tpu.memory_space<vmem>>
    %dma_wait3A_88 = arith.constant 0 : i32
    %dma_wait3A_89 = tpu.memref_slice %arg11[%dma_wait3A_88] : memref<2048xf32, #tpu.memory_space<vmem_shared>> -> memref<2048xf32, #tpu.memory_space<vmem_shared>>
    tpu.wait_indirect_dma semaphore(%arg10 : memref<!tpu.dma_semaphore, #tpu.memory_space<semaphore_mem>>) src(%arg7 : memref<128xf32, #tpu.memory_space<vmem>>) dst(%dma_wait3A_89 : memref<2048xf32, #tpu.memory_space<vmem_shared>>)
    %dma_wait3A_90 = arith.constant 5 : i32
    %dma_wait3A_91 = arith.constant 0 : i32
    %dma_wait3A_92 = tpu.memref_slice %arg5[%dma_wait3A_90, %dma_wait3A_91] : memref<8x128xi32, #tpu.memory_space<vmem>> -> memref<1x128xi32, #tpu.memory_space<vmem>>
    %dma_wait3A_93 = tpu.memref_squeeze %dma_wait3A_92 : memref<1x128xi32, #tpu.memory_space<vmem>> -> memref<128xi32, #tpu.memory_space<vmem>>
    %dma_wait3A_94 = arith.constant 0 : i32
    %dma_wait3A_95 = tpu.memref_slice %arg11[%dma_wait3A_94] : memref<2048xf32, #tpu.memory_space<vmem_shared>> -> memref<2048xf32, #tpu.memory_space<vmem_shared>>
    tpu.wait_indirect_dma semaphore(%arg10 : memref<!tpu.dma_semaphore, #tpu.memory_space<semaphore_mem>>) src(%arg7 : memref<128xf32, #tpu.memory_space<vmem>>) dst(%dma_wait3A_95 : memref<2048xf32, #tpu.memory_space<vmem_shared>>)
    %dma_wait3A_96 = arith.constant 6 : i32
    %dma_wait3A_97 = arith.constant 0 : i32
    %dma_wait3A_98 = tpu.memref_slice %arg5[%dma_wait3A_96, %dma_wait3A_97] : memref<8x128xi32, #tpu.memory_space<vmem>> -> memref<1x128xi32, #tpu.memory_space<vmem>>
    %dma_wait3A_99 = tpu.memref_squeeze %dma_wait3A_98 : memref<1x128xi32, #tpu.memory_space<vmem>> -> memref<128xi32, #tpu.memory_space<vmem>>
    %dma_wait3A_100 = arith.constant 0 : i32
    %dma_wait3A_101 = tpu.memref_slice %arg11[%dma_wait3A_100] : memref<2048xf32, #tpu.memory_space<vmem_shared>> -> memref<2048xf32, #tpu.memory_space<vmem_shared>>
    tpu.wait_indirect_dma semaphore(%arg10 : memref<!tpu.dma_semaphore, #tpu.memory_space<semaphore_mem>>) src(%arg7 : memref<128xf32, #tpu.memory_space<vmem>>) dst(%dma_wait3A_101 : memref<2048xf32, #tpu.memory_space<vmem_shared>>)
    %dma_wait3A_102 = arith.constant 7 : i32
    %dma_wait3A_103 = arith.constant 0 : i32
    %dma_wait3A_104 = tpu.memref_slice %arg5[%dma_wait3A_102, %dma_wait3A_103] : memref<8x128xi32, #tpu.memory_space<vmem>> -> memref<1x128xi32, #tpu.memory_space<vmem>>
    %dma_wait3A_105 = tpu.memref_squeeze %dma_wait3A_104 : memref<1x128xi32, #tpu.memory_space<vmem>> -> memref<128xi32, #tpu.memory_space<vmem>>
    %dma_wait3A_106 = arith.constant 0 : i32
    %dma_wait3A_107 = tpu.memref_slice %arg11[%dma_wait3A_106] : memref<2048xf32, #tpu.memory_space<vmem_shared>> -> memref<2048xf32, #tpu.memory_space<vmem_shared>>
    tpu.wait_indirect_dma semaphore(%arg10 : memref<!tpu.dma_semaphore, #tpu.memory_space<semaphore_mem>>) src(%arg7 : memref<128xf32, #tpu.memory_space<vmem>>) dst(%dma_wait3A_107 : memref<2048xf32, #tpu.memory_space<vmem_shared>>)
    %barrier3A_108 = arith.constant 0 : index
    tpu.barrier barrier_id(%barrier3A_108)
    %jit3A = arith.constant 8 : i32
    %eq3A = arith.constant 0 : i32
    %eq3A_109 = arith.cmpi eq, %jit3A, %eq3A : i32
    %jit3A_110 = arith.constant 1 : i32
    %select_n3A = arith.select %eq3A_109, %jit3A_110, %jit3A : i32
    %rem3A = arith.remsi %arg1, %select_n3A : i32
    %ne3A = arith.constant 0 : i32
    %ne3A_111 = arith.cmpi ne, %rem3A, %ne3A : i32
    %lt3A = arith.constant 0 : i32
    %lt3A_112 = arith.cmpi slt, %rem3A, %lt3A : i32
    %lt3A_113 = arith.constant 0 : i32
    %lt3A_114 = arith.cmpi slt, %select_n3A, %lt3A_113 : i32
    %ne3A_115 = arith.xori %lt3A_112, %lt3A_114 : i1
    %and3A = arith.andi %ne3A_115, %ne3A_111 : i1
    %add3A = arith.addi %rem3A, %select_n3A : i32
    %select_n3A_116 = arith.select %and3A, %add3A, %rem3A : i32
    %lt3A_117 = arith.constant 7 : i32
    %lt3A_118 = arith.cmpi slt, %arg1, %lt3A_117 : i32
    %convert_element_type3A = arith.extui %lt3A_118 : i1 to i32
    %cond3A = arith.constant 0 : i32
    %cond3A_119 = arith.cmpi ne, %convert_element_type3A, %cond3A : i32
    scf.if %cond3A_119 {
      %mul3A_142 = arith.constant 128 : i32
      %mul3A_143 = arith.muli %select_n3A_116, %mul3A_142 : i32
      %add3A_144 = arith.constant 1024 : i32
      %add3A_145 = arith.addi %add3A_144, %mul3A_143 : i32
      %mul3A_146 = arith.constant 128 : i32
      %mul3A_147 = arith.muli %select_n3A_116, %mul3A_146 : i32
      "tpu.region"() ({
        %run_scoped3A = tpu.sem_alloc : memref<!tpu.dma_semaphore, #tpu.memory_space<semaphore_mem>>
        %dma_start3A_148 = tpu.memref_slice %arg4[%mul3A_147] : memref<2000xf32, #tpu.memory_space<hbm>> -> memref<128xf32, #tpu.memory_space<hbm>>
        %dma_start3A_149 = tpu.memref_slice %arg11[%add3A_145] : memref<2048xf32, #tpu.memory_space<vmem_shared>> -> memref<128xf32, #tpu.memory_space<vmem_shared>>
        tpu.enqueue_dma source(%dma_start3A_149 : memref<128xf32, #tpu.memory_space<vmem_shared>>) target(%dma_start3A_148 : memref<128xf32, #tpu.memory_space<hbm>>) target_semaphore(%run_scoped3A : memref<!tpu.dma_semaphore, #tpu.memory_space<semaphore_mem>>)
        %dma_wait3A_150 = tpu.memref_slice %arg4[%mul3A_147] : memref<2000xf32, #tpu.memory_space<hbm>> -> memref<128xf32, #tpu.memory_space<hbm>>
        %dma_wait3A_151 = tpu.memref_slice %arg11[%add3A_145] : memref<2048xf32, #tpu.memory_space<vmem_shared>> -> memref<128xf32, #tpu.memory_space<vmem_shared>>
        tpu.wait_dma2 semaphore(%run_scoped3A : memref<!tpu.dma_semaphore, #tpu.memory_space<semaphore_mem>>) src(%dma_wait3A_151 : memref<128xf32, #tpu.memory_space<vmem_shared>>) dst(%dma_wait3A_150 : memref<128xf32, #tpu.memory_space<hbm>>)
        tpu.yield
      }) : () -> ()
    } else {
    }
    %eq3A_120 = arith.constant 7 : i32
    %eq3A_121 = arith.cmpi eq, %arg1, %eq3A_120 : i32
    %convert_element_type3A_122 = arith.extui %eq3A_121 : i1 to i32
    %cond3A_123 = arith.constant 0 : i32
    %cond3A_124 = arith.cmpi ne, %convert_element_type3A_122, %cond3A_123 : i32
    scf.if %cond3A_124 {
      "tpu.region"() ({
        %run_scoped3A = tpu.sem_alloc : memref<!tpu.dma_semaphore, #tpu.memory_space<semaphore_mem>>
        %dma_start3A_142 = arith.constant 0 : i32
        %dma_start3A_143 = tpu.memref_slice %arg9[%dma_start3A_142] : memref<256xf32, #tpu.memory_space<vmem>> -> memref<128xf32, #tpu.memory_space<vmem>>
        %dma_start3A_144 = arith.constant 1920 : i32
        %dma_start3A_145 = tpu.memref_slice %arg11[%dma_start3A_144] : memref<2048xf32, #tpu.memory_space<vmem_shared>> -> memref<128xf32, #tpu.memory_space<vmem_shared>>
        %dma_start3A_146 = arith.constant 0 : i32
        %dma_start3A_147 = tpu.memref_slice %arg9[%dma_start3A_146] : memref<256xf32, #tpu.memory_space<vmem>> -> memref<128xf32, #tpu.memory_space<vmem>>
        %dma_start3A_148 = arith.constant 1920 : i32
        %dma_start3A_149 = tpu.memref_slice %arg11[%dma_start3A_148] : memref<2048xf32, #tpu.memory_space<vmem_shared>> -> memref<128xf32, #tpu.memory_space<vmem_shared>>
        tpu.enqueue_dma source(%dma_start3A_149 : memref<128xf32, #tpu.memory_space<vmem_shared>>) target(%dma_start3A_147 : memref<128xf32, #tpu.memory_space<vmem>>) target_semaphore(%run_scoped3A : memref<!tpu.dma_semaphore, #tpu.memory_space<semaphore_mem>>)
        %dma_wait3A_150 = arith.constant 0 : i32
        %dma_wait3A_151 = tpu.memref_slice %arg9[%dma_wait3A_150] : memref<256xf32, #tpu.memory_space<vmem>> -> memref<128xf32, #tpu.memory_space<vmem>>
        %dma_wait3A_152 = arith.constant 1920 : i32
        %dma_wait3A_153 = tpu.memref_slice %arg11[%dma_wait3A_152] : memref<2048xf32, #tpu.memory_space<vmem_shared>> -> memref<128xf32, #tpu.memory_space<vmem_shared>>
        %dma_wait3A_154 = arith.constant 0 : i32
        %dma_wait3A_155 = tpu.memref_slice %arg9[%dma_wait3A_154] : memref<256xf32, #tpu.memory_space<vmem>> -> memref<128xf32, #tpu.memory_space<vmem>>
        %dma_wait3A_156 = arith.constant 1920 : i32
        %dma_wait3A_157 = tpu.memref_slice %arg11[%dma_wait3A_156] : memref<2048xf32, #tpu.memory_space<vmem_shared>> -> memref<128xf32, #tpu.memory_space<vmem_shared>>
        tpu.wait_dma2 semaphore(%run_scoped3A : memref<!tpu.dma_semaphore, #tpu.memory_space<semaphore_mem>>) src(%dma_wait3A_157 : memref<128xf32, #tpu.memory_space<vmem_shared>>) dst(%dma_wait3A_155 : memref<128xf32, #tpu.memory_space<vmem>>)
        tpu.yield
      }) : () -> ()
      "tpu.region"() ({
        %run_scoped3A = tpu.sem_alloc : memref<!tpu.dma_semaphore, #tpu.memory_space<semaphore_mem>>
        %dma_start3A_142 = arith.constant 0 : i32
        %dma_start3A_143 = tpu.memref_slice %arg9[%dma_start3A_142] : memref<256xf32, #tpu.memory_space<vmem>> -> memref<104xf32, #tpu.memory_space<vmem>>
        %dma_start3A_144 = arith.constant 896 : i32
        %dma_start3A_145 = tpu.memref_slice %arg4[%dma_start3A_144] : memref<2000xf32, #tpu.memory_space<hbm>> -> memref<104xf32, #tpu.memory_space<hbm>>
        %dma_start3A_146 = arith.constant 896 : i32
        %dma_start3A_147 = tpu.memref_slice %arg4[%dma_start3A_146] : memref<2000xf32, #tpu.memory_space<hbm>> -> memref<104xf32, #tpu.memory_space<hbm>>
        %dma_start3A_148 = arith.constant 0 : i32
        %dma_start3A_149 = tpu.memref_slice %arg9[%dma_start3A_148] : memref<256xf32, #tpu.memory_space<vmem>> -> memref<104xf32, #tpu.memory_space<vmem>>
        tpu.enqueue_dma source(%dma_start3A_149 : memref<104xf32, #tpu.memory_space<vmem>>) target(%dma_start3A_147 : memref<104xf32, #tpu.memory_space<hbm>>) target_semaphore(%run_scoped3A : memref<!tpu.dma_semaphore, #tpu.memory_space<semaphore_mem>>)
        %dma_wait3A_150 = arith.constant 0 : i32
        %dma_wait3A_151 = tpu.memref_slice %arg9[%dma_wait3A_150] : memref<256xf32, #tpu.memory_space<vmem>> -> memref<104xf32, #tpu.memory_space<vmem>>
        %dma_wait3A_152 = arith.constant 896 : i32
        %dma_wait3A_153 = tpu.memref_slice %arg4[%dma_wait3A_152] : memref<2000xf32, #tpu.memory_space<hbm>> -> memref<104xf32, #tpu.memory_space<hbm>>
        %dma_wait3A_154 = arith.constant 896 : i32
        %dma_wait3A_155 = tpu.memref_slice %arg4[%dma_wait3A_154] : memref<2000xf32, #tpu.memory_space<hbm>> -> memref<104xf32, #tpu.memory_space<hbm>>
        %dma_wait3A_156 = arith.constant 0 : i32
        %dma_wait3A_157 = tpu.memref_slice %arg9[%dma_wait3A_156] : memref<256xf32, #tpu.memory_space<vmem>> -> memref<104xf32, #tpu.memory_space<vmem>>
        tpu.wait_dma2 semaphore(%run_scoped3A : memref<!tpu.dma_semaphore, #tpu.memory_space<semaphore_mem>>) src(%dma_wait3A_157 : memref<104xf32, #tpu.memory_space<vmem>>) dst(%dma_wait3A_155 : memref<104xf32, #tpu.memory_space<hbm>>)
        tpu.yield
      }) : () -> ()
    } else {
    }
    %ge3A = arith.constant 8 : i32
    %ge3A_125 = arith.cmpi sge, %arg1, %ge3A : i32
    %convert_element_type3A_126 = arith.extui %ge3A_125 : i1 to i32
    %cond3A_127 = arith.constant 0 : i32
    %cond3A_128 = arith.cmpi ne, %convert_element_type3A_126, %cond3A_127 : i32
    scf.if %cond3A_128 {
      %mul3A_142 = arith.constant 128 : i32
      %mul3A_143 = arith.muli %select_n3A_116, %mul3A_142 : i32
      "tpu.region"() ({
        %run_scoped3A = tpu.sem_alloc : memref<!tpu.dma_semaphore, #tpu.memory_space<semaphore_mem>>
        %dma_start3A_154 = arith.constant 0 : i32
        %dma_start3A_155 = tpu.memref_slice %arg9[%dma_start3A_154] : memref<256xf32, #tpu.memory_space<vmem>> -> memref<128xf32, #tpu.memory_space<vmem>>
        %dma_start3A_156 = tpu.memref_slice %arg11[%mul3A_143] : memref<2048xf32, #tpu.memory_space<vmem_shared>> -> memref<128xf32, #tpu.memory_space<vmem_shared>>
        %dma_start3A_157 = arith.constant 0 : i32
        %dma_start3A_158 = tpu.memref_slice %arg9[%dma_start3A_157] : memref<256xf32, #tpu.memory_space<vmem>> -> memref<128xf32, #tpu.memory_space<vmem>>
        %dma_start3A_159 = tpu.memref_slice %arg11[%mul3A_143] : memref<2048xf32, #tpu.memory_space<vmem_shared>> -> memref<128xf32, #tpu.memory_space<vmem_shared>>
        tpu.enqueue_dma source(%dma_start3A_159 : memref<128xf32, #tpu.memory_space<vmem_shared>>) target(%dma_start3A_158 : memref<128xf32, #tpu.memory_space<vmem>>) target_semaphore(%run_scoped3A : memref<!tpu.dma_semaphore, #tpu.memory_space<semaphore_mem>>)
        %dma_wait3A_160 = arith.constant 0 : i32
        %dma_wait3A_161 = tpu.memref_slice %arg9[%dma_wait3A_160] : memref<256xf32, #tpu.memory_space<vmem>> -> memref<128xf32, #tpu.memory_space<vmem>>
        %dma_wait3A_162 = tpu.memref_slice %arg11[%mul3A_143] : memref<2048xf32, #tpu.memory_space<vmem_shared>> -> memref<128xf32, #tpu.memory_space<vmem_shared>>
        %dma_wait3A_163 = arith.constant 0 : i32
        %dma_wait3A_164 = tpu.memref_slice %arg9[%dma_wait3A_163] : memref<256xf32, #tpu.memory_space<vmem>> -> memref<128xf32, #tpu.memory_space<vmem>>
        %dma_wait3A_165 = tpu.memref_slice %arg11[%mul3A_143] : memref<2048xf32, #tpu.memory_space<vmem_shared>> -> memref<128xf32, #tpu.memory_space<vmem_shared>>
        tpu.wait_dma2 semaphore(%run_scoped3A : memref<!tpu.dma_semaphore, #tpu.memory_space<semaphore_mem>>) src(%dma_wait3A_165 : memref<128xf32, #tpu.memory_space<vmem_shared>>) dst(%dma_wait3A_164 : memref<128xf32, #tpu.memory_space<vmem>>)
        tpu.yield
      }) : () -> ()
      %mul3A_144 = arith.constant 128 : i32
      %mul3A_145 = arith.muli %select_n3A_116, %mul3A_144 : i32
      %add3A_146 = arith.constant 1024 : i32
      %add3A_147 = arith.addi %add3A_146, %mul3A_145 : i32
      "tpu.region"() ({
        %run_scoped3A = tpu.sem_alloc : memref<!tpu.dma_semaphore, #tpu.memory_space<semaphore_mem>>
        %dma_start3A_154 = arith.constant 128 : i32
        %dma_start3A_155 = tpu.memref_slice %arg9[%dma_start3A_154] : memref<256xf32, #tpu.memory_space<vmem>> -> memref<128xf32, #tpu.memory_space<vmem>>
        %dma_start3A_156 = tpu.memref_slice %arg11[%add3A_147] : memref<2048xf32, #tpu.memory_space<vmem_shared>> -> memref<128xf32, #tpu.memory_space<vmem_shared>>
        %dma_start3A_157 = arith.constant 128 : i32
        %dma_start3A_158 = tpu.memref_slice %arg9[%dma_start3A_157] : memref<256xf32, #tpu.memory_space<vmem>> -> memref<128xf32, #tpu.memory_space<vmem>>
        %dma_start3A_159 = tpu.memref_slice %arg11[%add3A_147] : memref<2048xf32, #tpu.memory_space<vmem_shared>> -> memref<128xf32, #tpu.memory_space<vmem_shared>>
        tpu.enqueue_dma source(%dma_start3A_159 : memref<128xf32, #tpu.memory_space<vmem_shared>>) target(%dma_start3A_158 : memref<128xf32, #tpu.memory_space<vmem>>) target_semaphore(%run_scoped3A : memref<!tpu.dma_semaphore, #tpu.memory_space<semaphore_mem>>)
        %dma_wait3A_160 = arith.constant 128 : i32
        %dma_wait3A_161 = tpu.memref_slice %arg9[%dma_wait3A_160] : memref<256xf32, #tpu.memory_space<vmem>> -> memref<128xf32, #tpu.memory_space<vmem>>
        %dma_wait3A_162 = tpu.memref_slice %arg11[%add3A_147] : memref<2048xf32, #tpu.memory_space<vmem_shared>> -> memref<128xf32, #tpu.memory_space<vmem_shared>>
        %dma_wait3A_163 = arith.constant 128 : i32
        %dma_wait3A_164 = tpu.memref_slice %arg9[%dma_wait3A_163] : memref<256xf32, #tpu.memory_space<vmem>> -> memref<128xf32, #tpu.memory_space<vmem>>
        %dma_wait3A_165 = tpu.memref_slice %arg11[%add3A_147] : memref<2048xf32, #tpu.memory_space<vmem_shared>> -> memref<128xf32, #tpu.memory_space<vmem_shared>>
        tpu.wait_dma2 semaphore(%run_scoped3A : memref<!tpu.dma_semaphore, #tpu.memory_space<semaphore_mem>>) src(%dma_wait3A_165 : memref<128xf32, #tpu.memory_space<vmem_shared>>) dst(%dma_wait3A_164 : memref<128xf32, #tpu.memory_space<vmem>>)
        tpu.yield
      }) : () -> ()
      %scan3A_148 = arith.constant 0 : i32
      %scan3A_149 = arith.constant 0 : i32
      %scan3A_150 = arith.constant 8 : i32
      %scan3A_151 = arith.addi %scan3A_149, %scan3A_150 : i32
      %scan3A_152 = arith.constant 1 : i32
      scf.for %scan3A_154 = %scan3A_149 to %scan3A_151 step %scan3A_152  : i32 {
        %mul3A_155 = arith.constant 16 : i32
        %mul3A_156 = arith.muli %scan3A_154, %mul3A_155 : i32
        %get3A = arith.index_cast %mul3A_156 : i32 to index
        %get3A_157 = tpu.vector_load %arg9[%get3A] {strides = array<i32>} : memref<256xf32, #tpu.memory_space<vmem>>, vector<16xf32>,
        %get3A_158 = vector.shape_cast %get3A_157 : vector<16xf32> to vector<16xf32>
        %mul3A_159 = arith.constant 16 : i32
        %mul3A_160 = arith.muli %scan3A_154, %mul3A_159 : i32
        %add3A_161 = arith.constant 128 : i32
        %add3A_162 = arith.addi %add3A_161, %mul3A_160 : i32
        %get3A_163 = arith.index_cast %add3A_162 : i32 to index
        %get3A_164 = tpu.vector_load %arg9[%get3A_163] {strides = array<i32>} : memref<256xf32, #tpu.memory_space<vmem>>, vector<16xf32>,
        %get3A_165 = vector.shape_cast %get3A_164 : vector<16xf32> to vector<16xf32>
        %add3A_166 = arith.addf %get3A_158, %get3A_165 : vector<16xf32>
        %swap3A = arith.index_cast %mul3A_156 : i32 to index
        %swap3A_167 = tpu.vector_load %arg9[%swap3A] {strides = array<i32>} : memref<256xf32, #tpu.memory_space<vmem>>, vector<16xf32>,
        %swap3A_168 = vector.shape_cast %swap3A_167 : vector<16xf32> to vector<16xf32>
        %swap3A_169 = vector.shape_cast %add3A_166 : vector<16xf32> to vector<16xf32>
        tpu.vector_store %arg9[%swap3A], %swap3A_169 {strides = array<i32>} : memref<256xf32, #tpu.memory_space<vmem>>, vector<16xf32>,
      }
      %scan3A_153 = arith.constant 8 : i32
    } else {
    }
    %ge3A_129 = arith.constant 8 : i32
    %ge3A_130 = arith.cmpi sge, %arg1, %ge3A_129 : i32
    %lt3A_131 = arith.constant 15 : i32
    %lt3A_132 = arith.cmpi slt, %arg1, %lt3A_131 : i32
    %and3A_133 = arith.andi %ge3A_130, %lt3A_132 : i1
    %convert_element_type3A_134 = arith.extui %and3A_133 : i1 to i32
    %cond3A_135 = arith.constant 0 : i32
    %cond3A_136 = arith.cmpi ne, %convert_element_type3A_134, %cond3A_135 : i32
    scf.if %cond3A_136 {
      %mul3A_142 = arith.constant 128 : i32
      %mul3A_143 = arith.muli %select_n3A_116, %mul3A_142 : i32
      %add3A_144 = arith.constant 1000 : i32
      %add3A_145 = arith.addi %add3A_144, %mul3A_143 : i32
      "tpu.region"() ({
        %run_scoped3A = tpu.sem_alloc : memref<!tpu.dma_semaphore, #tpu.memory_space<semaphore_mem>>
        %dma_start3A_146 = arith.constant 0 : i32
        %dma_start3A_147 = tpu.memref_slice %arg9[%dma_start3A_146] : memref<256xf32, #tpu.memory_space<vmem>> -> memref<128xf32, #tpu.memory_space<vmem>>
        %dma_start3A_148 = tpu.memref_slice %arg4[%add3A_145] : memref<2000xf32, #tpu.memory_space<hbm>> -> memref<128xf32, #tpu.memory_space<hbm>>
        %dma_start3A_149 = tpu.memref_slice %arg4[%add3A_145] : memref<2000xf32, #tpu.memory_space<hbm>> -> memref<128xf32, #tpu.memory_space<hbm>>
        %dma_start3A_150 = arith.constant 0 : i32
        %dma_start3A_151 = tpu.memref_slice %arg9[%dma_start3A_150] : memref<256xf32, #tpu.memory_space<vmem>> -> memref<128xf32, #tpu.memory_space<vmem>>
        tpu.enqueue_dma source(%dma_start3A_151 : memref<128xf32, #tpu.memory_space<vmem>>) target(%dma_start3A_149 : memref<128xf32, #tpu.memory_space<hbm>>) target_semaphore(%run_scoped3A : memref<!tpu.dma_semaphore, #tpu.memory_space<semaphore_mem>>)
        %dma_wait3A_152 = arith.constant 0 : i32
        %dma_wait3A_153 = tpu.memref_slice %arg9[%dma_wait3A_152] : memref<256xf32, #tpu.memory_space<vmem>> -> memref<128xf32, #tpu.memory_space<vmem>>
        %dma_wait3A_154 = tpu.memref_slice %arg4[%add3A_145] : memref<2000xf32, #tpu.memory_space<hbm>> -> memref<128xf32, #tpu.memory_space<hbm>>
        %dma_wait3A_155 = tpu.memref_slice %arg4[%add3A_145] : memref<2000xf32, #tpu.memory_space<hbm>> -> memref<128xf32, #tpu.memory_space<hbm>>
        %dma_wait3A_156 = arith.constant 0 : i32
        %dma_wait3A_157 = tpu.memref_slice %arg9[%dma_wait3A_156] : memref<256xf32, #tpu.memory_space<vmem>> -> memref<128xf32, #tpu.memory_space<vmem>>
        tpu.wait_dma2 semaphore(%run_scoped3A : memref<!tpu.dma_semaphore, #tpu.memory_space<semaphore_mem>>) src(%dma_wait3A_157 : memref<128xf32, #tpu.memory_space<vmem>>) dst(%dma_wait3A_155 : memref<128xf32, #tpu.memory_space<hbm>>)
        tpu.yield
      }) : () -> ()
    } else {
    }
    %eq3A_137 = arith.constant 15 : i32
    %eq3A_138 = arith.cmpi eq, %arg1, %eq3A_137 : i32
    %convert_element_type3A_139 = arith.extui %eq3A_138 : i1 to i32
    %cond3A_140 = arith.constant 0 : i32
    %cond3A_141 = arith.cmpi ne, %convert_element_type3A_139, %cond3A_140 : i32
    scf.if %cond3A_141 {
      "tpu.region"() ({
        %run_scoped3A = tpu.sem_alloc : memref<!tpu.dma_semaphore, #tpu.memory_space<semaphore_mem>>
        %dma_start3A_142 = arith.constant 0 : i32
        %dma_start3A_143 = tpu.memref_slice %arg9[%dma_start3A_142] : memref<256xf32, #tpu.memory_space<vmem>> -> memref<104xf32, #tpu.memory_space<vmem>>
        %dma_start3A_144 = arith.constant 1896 : i32
        %dma_start3A_145 = tpu.memref_slice %arg4[%dma_start3A_144] : memref<2000xf32, #tpu.memory_space<hbm>> -> memref<104xf32, #tpu.memory_space<hbm>>
        %dma_start3A_146 = arith.constant 1896 : i32
        %dma_start3A_147 = tpu.memref_slice %arg4[%dma_start3A_146] : memref<2000xf32, #tpu.memory_space<hbm>> -> memref<104xf32, #tpu.memory_space<hbm>>
        %dma_start3A_148 = arith.constant 0 : i32
        %dma_start3A_149 = tpu.memref_slice %arg9[%dma_start3A_148] : memref<256xf32, #tpu.memory_space<vmem>> -> memref<104xf32, #tpu.memory_space<vmem>>
        tpu.enqueue_dma source(%dma_start3A_149 : memref<104xf32, #tpu.memory_space<vmem>>) target(%dma_start3A_147 : memref<104xf32, #tpu.memory_space<hbm>>) target_semaphore(%run_scoped3A : memref<!tpu.dma_semaphore, #tpu.memory_space<semaphore_mem>>)
        %dma_wait3A_150 = arith.constant 0 : i32
        %dma_wait3A_151 = tpu.memref_slice %arg9[%dma_wait3A_150] : memref<256xf32, #tpu.memory_space<vmem>> -> memref<104xf32, #tpu.memory_space<vmem>>
        %dma_wait3A_152 = arith.constant 1896 : i32
        %dma_wait3A_153 = tpu.memref_slice %arg4[%dma_wait3A_152] : memref<2000xf32, #tpu.memory_space<hbm>> -> memref<104xf32, #tpu.memory_space<hbm>>
        %dma_wait3A_154 = arith.constant 1896 : i32
        %dma_wait3A_155 = tpu.memref_slice %arg4[%dma_wait3A_154] : memref<2000xf32, #tpu.memory_space<hbm>> -> memref<104xf32, #tpu.memory_space<hbm>>
        %dma_wait3A_156 = arith.constant 0 : i32
        %dma_wait3A_157 = tpu.memref_slice %arg9[%dma_wait3A_156] : memref<256xf32, #tpu.memory_space<vmem>> -> memref<104xf32, #tpu.memory_space<vmem>>
        tpu.wait_dma2 semaphore(%run_scoped3A : memref<!tpu.dma_semaphore, #tpu.memory_space<semaphore_mem>>) src(%dma_wait3A_157 : memref<104xf32, #tpu.memory_space<vmem>>) dst(%dma_wait3A_155 : memref<104xf32, #tpu.memory_space<hbm>>)
        tpu.yield
      }) : () -> ()
    } else {
    }
    return
  }
}

module attributes {stable_mosaic.version = 14 : i64} {
  func.func @_argmax_body(%arg0: i32, %arg1: memref<2048x1000xf32, #tpu.memory_space<vmem>>, %arg2: memref<2x8x128xi32, #tpu.memory_space<vmem>>) attributes {dimension_semantics = [#tpu.dimension_semantics<arbitrary>], iteration_bounds = array<i64: 8>, scalar_prefetch = 0 : i64, scratch_operands = 0 : i64, tpu.core_type = #tpu.core_type<tc>, window_params = [{transform_indices = @transform_0, window_bounds = array<i64: 2048, 1000>}, {transform_indices = @transform_1, window_bounds = array<i64: 2, 8, 128>}]} {
    %get3A = arith.constant 0 : index
    %get3A_0 = arith.constant 0 : index
    %get3A_1 = vector.load %arg1[%get3A, %get3A_0] : memref<2048x1000xf32, #tpu.memory_space<vmem>>, vector<2048x1000xf32>
    %argmax3A = tpu.reduce_index %get3A_1 {axis = 1 : i32, kind = #tpu.reduction_kind<arg_max>} : vector<2048x1000xf32> -> vector<2048xi32>
    %reshape3A = vector.shape_cast %argmax3A : vector<2048xi32> to vector<2x8x128xi32>
    %swap3A = arith.constant 0 : index
    %swap3A_2 = arith.constant 0 : index
    %swap3A_3 = arith.constant 0 : index
    %swap3A_4 = vector.load %arg2[%swap3A, %swap3A_2, %swap3A_3] : memref<2x8x128xi32, #tpu.memory_space<vmem>>, vector<2x8x128xi32>
    tpu.vector_store %arg2[%swap3A, %swap3A_2, %swap3A_3], %reshape3A {strides = array<i32>} : memref<2x8x128xi32, #tpu.memory_space<vmem>>, vector<2x8x128xi32>,
    return
  }
  func.func @transform_0(%arg0: i32) -> (i32, i32) {
    %c0_i32 = arith.constant 0 : i32
    %c0_i32_0 = arith.constant 0 : i32
    return %arg0, %c0_i32 : i32, i32
  }
  func.func @transform_1(%arg0: i32) -> (i32, i32, i32) {
    %c0_i32 = arith.constant 0 : i32
    %c0_i32_0 = arith.constant 0 : i32
    %c0_i32_1 = arith.constant 0 : i32
    return %arg0, %c0_i32, %c0_i32_0 : i32, i32, i32
  }
}

</mosaic_0001>

<sc_bundles>
// kernel: kernel.4.cloned.1.call-start
scs
__scs_entry_jumppad:
0x0: {  	(pc) =	sbr.rel $0x88, $3  }
0x1: {  	(tag) =	ssettag $0x0;
	lr =	simm.s32 $0x1  }
0x2: {  	[smem:$0x3F9F] =	sst lr;
	_ =	strace $0xD0000000  }
0x3: {  	_ = 	snop  }
0x4: {  	_ = 	snop  }
0x5: {  	_ = 	snop  }
0x6: {  	_ = 	snop  }
0x7: {  	_ = 	snop  }
__scs_overlays_trampoline_lowered:
0x8: {  	[smem:$0x3FAE] =	sst s0  }
0x9: {  	[smem:$0x3FAF] =	sst s1  }
0xa: {  	[smem:$0x3FB0] =	sst s2  }
0xb: {  	[smem:$0x3FB1] =	sst s3  }
0xc: {  	[smem:$0x3FB2] =	sst s4  }
0xd: {  	[smem:$0x3FB3] =	sst s5  }
0xe: {  	[smem:$0x3FB4] =	sst s6  }
0xf: {  	[smem:$0x3FB5] =	sst s7  }
0x10: {  	[smem:$0x3FB6] =	sst s8  }
0x11: {  	[smem:$0x3FB7] =	sst s9;
	s0 =	simm.s32 @!p0 $0x0  }
0x12: {  	s1 =	sld [smem:$0x3F9D];
	s0 =	simm.s32 @p0 $0x1  }
0x13: {  	[smem:$0x3FB8] =	sst s0;
	s0 =	simm.s32 @!p1 $0x0  }
0x14: {  	s2 =	sld [smem:$0x3F9C];
	s0 =	simm.s32 @p1 $0x1  }
0x15: {  	[smem:$0x3FB9] =	sst s0;
	s0 =	simm.s32 @!p2 $0x0  }
0x16: {  	s3 =	sld [smem:$0x3FDB];
	s0 =	simm.s32 @p2 $0x1  }
0x17: {  	s4 =	simm.s32 $0x1BF5;
	[smem:$0x3FBB] =	sst s0  }
0x18: {  	s0 =	sld [smem:$0x3F9E];
	_ =	swait.ge [sflag:s4], $0x0  }
0x19: {  	s7 =	sld [smem:$0x3F9F]  }
0x1a: {  	s8 =	sadd.s32 $0xFFFFE003, lr  }
0x1b: {  	s9 =	sadd.s32 $0xFFFFFEF7, lr;
	s5 =	simm.s32 $0xFFFFFFFF;
	p2 =	slt.u32 s8, $0xFFFFF086  }
0x1c: {  	p1 =	slt.u32 s9, $0xF7A;
	s5 =	simm.s32 @!p2 $0x0  }
0x1d: {  	s5 =	simm.s32 @p1 $0x1;
	p0 =	seq.s32 s7, s2  }
0x1e: {  	s7 =	smul.u32 @!p0 $0xF7A, s2;
	p2 =	seq.s32 @!p0 s5, $0x0  }
0x1f: {  	s9 =	smul.u32 $0xF7A, s1;
	s8 =	simm.s32 @!p0 $0x1BF5;
	p2 =	por !p2, p0  }
0x20: {  	[sflag:s8] =	ssyncset.s32 @!p0 $0xFFFFF086;
	s6 =	sadd.s32 @!p0 s3, s7;
	s7 =	simm.s32 @!p0 $0x108  }
0x21: {  	s3 =	sadd.s32 s3, s9;
	s6 =	sadd.s32 @!p0 $0x88, s6;
	s7 =	simm.s32 @p2 $0x1082  }
0x22: {  	[simem:s7], [sflag:s8] =	dma.local @!p0 [hbm:s6], $0xF7A  }
0x23: {  	s9 =	sor.u32 $0xD0000000, s2;
	s6 =	simm.s32 $0x108;
	_ =	swait.ge @!p0 [sflag:s8], $0x0  }
0x24: {  	s3 =	sadd.s32 $0x88, s3;
	s6 =	simm.s32 @!p1 $0x1082;
	[sflag:s4] =	ssyncset.s32 $0xFFFFF086  }
0x25: {  	[simem:s6], [sflag:s4] =	dma.local [hbm:s3], $0xF7A  }
0x26: {  	[smem:$0x3F9F] =	sst s1;
	(tag) =	ssettag s2;
	_ =	strace s9  }
0x27: {  	s1 =	sld [smem:$0x3FAF]  }
0x28: {  	s2 =	sld [smem:$0x3FB0]  }
0x29: {  	s4 =	sld [smem:$0x3FB2]  }
0x2a: {  	p0 =	seq.s32 s5, $0x0;
	s5 =	sld [smem:$0x3FB3]  }
0x2b: {  	s6 =	sld [smem:$0x3FB4]  }
0x2c: {  	s7 =	sld [smem:$0x3FB5]  }
0x2d: {  	s3 =	simm.s32 $0x108;
	s8 =	sld [smem:$0x3FB6]  }
0x2e: {  	s3 =	simm.s32 @!p0 $0x1082;
	s9 =	sld [smem:$0x3FB7]  }
0x2f: {  	lr =	sadd.s32 s0, s3;
	s0 =	sld [smem:$0x3FAE]  }
0x30: {  	s3 =	sld [smem:$0x3FB1]  }
0x31: {  	[smem:$0x3FBA] =	sst s10  }
0x32: {  	s10 =	sld [smem:$0x3FB8];
	_ =	sdelay $0x3  }
0x33: {  	p0 =	seq.s32 s10, $0x1;
	s10 =	sld [smem:$0x3FBA];
	_ =	sdelay $0x3  }
0x34: {  	[smem:$0x3FBA] =	sst s10  }
0x35: {  	s10 =	sld [smem:$0x3FB9];
	_ =	sdelay $0x3  }
0x36: {  	p1 =	seq.s32 s10, $0x1;
	s10 =	sld [smem:$0x3FBA];
	_ =	sdelay $0x3  }
0x37: {  	[smem:$0x3FBA] =	sst s10  }
0x38: {  	s10 =	sld [smem:$0x3FBB]  }
0x39: {  	_ = 	snop;
	(pc) =	sbr.ind lr, $3  }
0x3a: {  	_ = 	snop  }
0x3b: {  	_ = 	snop  }
0x3c: {  	p2 =	seq.s32 s10, $0x1;
	s10 =	sld [smem:$0x3FBA]  }
0x3d: {  	_ =	shalt  }
0x3e: {  	_ =	shalt  }
0x3f: {  	_ =	shalt  }
0x40: {  	_ =	shalt  }
0x41: {  	_ =	shalt  }
0x42: {  	_ =	shalt  }
0x43: {  	_ =	shalt  }
0x44: {  	_ =	shalt  }
0x45: {  	_ =	shalt  }
0x46: {  	_ =	shalt  }
0x47: {  	_ =	shalt  }
0x48: {  	_ =	shalt  }
0x49: {  	_ =	shalt  }
0x4a: {  	_ =	shalt  }
0x4b: {  	_ =	shalt  }
0x4c: {  	_ =	shalt  }
0x4d: {  	_ =	shalt  }
0x4e: {  	_ =	shalt  }
0x4f: {  	_ =	shalt  }
0x50: {  	_ =	shalt  }
0x51: {  	_ =	shalt  }
0x52: {  	_ =	shalt  }
0x53: {  	_ =	shalt  }
0x54: {  	_ =	shalt  }
0x55: {  	_ =	shalt  }
0x56: {  	_ =	shalt  }
0x57: {  	_ =	shalt  }
0x58: {  	_ =	shalt  }
0x59: {  	_ =	shalt  }
0x5a: {  	_ =	shalt  }
0x5b: {  	_ =	shalt  }
0x5c: {  	_ =	shalt  }
0x5d: {  	_ =	shalt  }
0x5e: {  	_ =	shalt  }
0x5f: {  	_ =	shalt  }
0x60: {  	_ =	shalt  }
0x61: {  	_ =	shalt  }
0x62: {  	_ =	shalt  }
0x63: {  	_ =	shalt  }
0x64: {  	_ =	shalt  }
0x65: {  	_ =	shalt  }
0x66: {  	_ =	shalt  }
0x67: {  	_ =	shalt  }
0x68: {  	_ =	shalt  }
0x69: {  	_ =	shalt  }
0x6a: {  	_ =	shalt  }
0x6b: {  	_ =	shalt  }
0x6c: {  	_ =	shalt  }
0x6d: {  	_ =	shalt  }
0x6e: {  	_ =	shalt  }
0x6f: {  	_ =	shalt  }
0x70: {  	_ =	shalt  }
0x71: {  	_ =	shalt  }
0x72: {  	_ =	shalt  }
0x73: {  	_ =	shalt  }
0x74: {  	_ =	shalt  }
0x75: {  	_ =	shalt  }
0x76: {  	_ =	shalt  }
0x77: {  	_ =	shalt  }
0x78: {  	_ =	shalt  }
0x79: {  	_ =	shalt  }
0x7a: {  	_ =	shalt  }
0x7b: {  	_ =	shalt  }
0x7c: {  	_ =	shalt  }
0x7d: {  	_ =	shalt  }
0x7e: {  	_ =	shalt  }
0x7f: {  	_ =	shalt  }
0x80: {  	_ =	shalt  }
0x81: {  	_ =	shalt  }
0x82: {  	_ =	shalt  }
0x83: {  	_ =	shalt  }
0x84: {  	_ =	shalt  }
0x85: {  	_ =	shalt  }
0x86: {  	_ =	shalt  }
0x87: {  	_ =	shalt  }
.Lfunc_end0:
.L_simem_size_0:
called_computation_lowered:
.L_overlay_start_0:
0x88: {  	s0 =	sld [smem:$0x3FD9]  }
0x89: {  	s1 =	sld [smem:$0x3FFE];
	_ =	sdelay $0x3  }
0x8a: {  	s0 =	sadd.s32 s1, s0  }
0x8b: {  	[smem:$0x3FC6] =	sst s0  }
0x8c: {  	_ = 	snop  }
0x8d: {  	s0 =	sld [smem:$0x3FC8];
	(tm) =	ssettm $0x1  }
0x8e: {  	s16 =	sld [smem:$0x3FFB];
	_ =	sdelay $0x3  }
0x8f: {  	_ =	strace s16  }
0x90: {  	s1 =	sld [smem:$0x3FFC];
	_ =	sdelay $0x3  }
0x91: {  	_ =	strace s1  }
0x92: {  	s1 =	sld [smem:$0x3FFD];
	_ =	sdelay $0x3  }
0x93: {  	_ =	strace s1  }
0x94: {  	_ =	strace $0x8FFFFFFF  }
0x95: {  	s17 =	sld [smem:$0x3FDB];
	_ =	sdelay $0x1  }
0x96: {  	s2 =	simm.s32 $_scs_section_size  }
0x97: {  	s3 =	simm.s32 $_size__tile_overlayer_lowered;
	s4 =	simm.s32 $_tile_overlayer_lowered  }
0x98: {  	s20 =	simm.s32 $0x1BFF;
	s19 =	sshll.u32 s4, $0x1;
	s1 =	sadd.s32 s2, s17  }
0x99: {  	s5 =	simm.s32 $0x0;
	s18 =	sshll.u32 s3, $0x1;
	s3 =	sadd.s32 s19, s1  }
0x9a: {  	[timem:s5], [sflag:s20] =	dma.local [hbm:s3], s18  }
0x9b: {  	_ =	swait.ge [sflag:s20], s18  }
0x9c: {  	s2 =	ssub.s32 $0x0, s18;
	[sflag:s20] =	ssyncset.done $0x0  }
0x9d: {  	[sflag:s20] =	ssyncadd.s32 s2;
	_ =	sdelay $0x1  }
0x9e: {  	s21 =	simm.s32 $0x1B8B  }
0x9f: {  	_ =	swait.ge [sflag:s21], $0x1  }
0xa0: {  	[sflag:s21] =	ssyncset.done $0x0  }
0xa1: {  	s23 =	simm.s32 $0x1B8E;
	s22 =	sld [smem:$0x3FFE];
	[sflag:s21] =	ssyncadd.s32 $0xFFFFFFFF  }
0xa2: {  	s24 =	simm.s32 $execute0_lowered;
	[smem:$0x3FD2] =	sst s23  }
0xa3: {  	s3 =	sshll.u32 s24, $0x1;
	_ =	strace $0x80000046;
	[dreg:$0x1] =	wrdreg $0xFFFFFFFF  }
0xa4: {  	s25 =	simm.s32 $_size_execute0_lowered;
	s1 =	sadd.s32 s1, s3;
	[dreg:$0x0] =	wrdreg $0x0  }
0xa5: {  	s3 =	sshll.u32 s25, $0x1;
	[dreg:$0x2] =	wrdreg s1  }
0xa6: {  	[dreg:$0x3] =	wrdreg s3  }
0xa7: {  	[dreg:$0x4] =	wrdreg $0xC0  }
0xa8: {  	_ =	task [dreg:s5], $0x5FFFF  }
0xa9: {  	[dreg:$0x1] =	wrdreg $0xFFFFFFFF  }
0xaa: {  	[dreg:$0x0] =	wrdreg $0x60  }
0xab: {  	[dreg:$0x2] =	wrdreg s22  }
0xac: {  	[dreg:$0x3] =	wrdreg s0  }
0xad: {  	[dreg:$0x4] =	wrdreg $0xA000  }
0xae: {  	[dreg:$0x5] =	wrdreg $0x9  }
0xaf: {  	_ =	task.clear_ibuf [dreg:s5], $0x6FFFF;
	_ =	strace $0x90000046  }
0xb0: {  	s26 =	simm.s32 $0x9;
	_ =	strace $0x80000048  }
0xb1: {  	_ =	swait.ge [sflag:s26], $0x1  }
0xb2: {  	[sflag:s26] =	ssyncadd.s32 $0xFFFFFFFF  }
0xb3: {  	_ =	strace $0x90000048  }
0xb4: {  	_ =	sfence  }
0xb5: {  	s28 =	sld [smem:$0x0];
	_ =	sdelay $0x1  }
0xb6: {  	s29 =	srdreg.scid  }
0xb7: {  	s30 =	sshll.u32 s29, $0xD;
	s31 =	sshrl.u32 s29, $0x2  }
0xb8: {  	s2 =	sand.u32 $0x4000, s30;
	s1 =	sand.u32 $0x1, s29;
	s0 =	sadd.s32 s31, s28  }
0xb9: {  	s1 =	sor.u32 s2, s1;
	s0 =	sshll.u32 s0, $0x11  }
0xba: {  	s0 =	sor.u32 s0, s1  }
0xbb: {  	s0 =	sadd.s32 $0x8F2B, s0  }
0xbc: {  	[sflag:s0] =	ssyncadd.remote.s32 $0x1  }
0xbd: {  	_ =	sfence.sel $0xFFFF  }
0xbe: {  	[dreg:$0x0] =	wrdreg $0xFFFFFFFF;
	(pc) =	sbr.abs _section_cstart, $3  }
0xbf: {  	[dreg:$0x1] =	wrdreg $0xFFFFFFFF  }
0xc0: {  	_ =	task.clear_ibuf [dreg:s5], $0x2FFFF;
	_ =	strace $0x9FFFFFFF  }
0xc1: {  	(tm) =	ssettm $0x7FFFFFFF  }
tec
execute0_lowered:
.L_overlay_start_1:
0x0: {  	(tag) =	ssettag $0x1  }
0x1: {  	s3 =	rddreg [dreg:$0x0]  }
0x2: {  	s4 =	rddreg [dreg:$0x1]  }
0x3: {  	s2 =	rddreg [dreg:$0x2];
	s5 =	simm.s32 $0x0  }
0x4: {  	v0 =	vimm.f32 $1.000000000e+00;
	[smem:$0x7FF] =	sst s5  }
0x5: {  	s0 =	rddreg [dreg:$0x3];
	v1 =	vimm.f32 $0.0e+00;
	_ =	strace $0x80000047;
	[tilespmem:$0x800] =	vst v0  }
0x6: {  	[tilespmem:$0x880] =	vst v1  }
0x7: {  	[tilespmem:$0x810] =	vst v0  }
0x8: {  	[tilespmem:$0x890] =	vst v1  }
0x9: {  	[tilespmem:$0x820] =	vst v0  }
0xa: {  	[tilespmem:$0x8A0] =	vst v1  }
0xb: {  	[tilespmem:$0x830] =	vst v0  }
0xc: {  	[tilespmem:$0x8B0] =	vst v1  }
0xd: {  	[tilespmem:$0x840] =	vst v0  }
0xe: {  	[tilespmem:$0x8C0] =	vst v1  }
0xf: {  	[tilespmem:$0x850] =	vst v0  }
0x10: {  	[tilespmem:$0x8D0] =	vst v1  }
0x11: {  	s1 =	stileid.u32;
	[tilespmem:$0x860] =	vst v0  }
0x12: {  	s6 =	sshll.u32 s1, $0x7;
	[tilespmem:$0x8E0] =	vst v1  }
0x13: {  	s7 =	sadd.s32 s6, s3;
	[tilespmem:$0x870] =	vst v0  }
0x14: {  	s26 =	simm.s32 $0x2;
	[tilespmem:$0x8F0] =	vst v1;
	s7 =	sadd.s32 $0x600, s7  }
0x15: {  	[tilespmem:s5], [sflag:$0x2] =	stream.linear.gather [hbm4b:s7+s5], $0x400, $0x38;
	[tilespmem:$0xA80] =	vst v63  }
0x16: {  	_ =	swait.ge [sflag:s26], $0x400  }
0x17: {  	[sflag:s26] =	ssyncset.done $0x0  }
0x18: {  	s8 =	simm.s32 $0x400;
	s4 =	sadd.s32 s4, s6;
	[sflag:s26] =	ssyncadd.s32 $0xFFFFFC00  }
0x19: {  	[tilespmem:s8], [sflag:$0x2] =	stream.linear.gather [hbm4b:s4+s5], $0x400, $0x38;
	[tilespmem:$0xA80] =	vst v63  }
0x1a: {  	_ =	swait.ge [sflag:s26], $0x400  }
0x1b: {  	[sflag:s26] =	ssyncset.done $0x0  }
0x1c: {  	s28 =	simm.s32 $0x880;
	s4 =	sadd.s32 s6, s2;
	[sflag:s26] =	ssyncadd.s32 $0xFFFFFC00  }
0x1d: {  	[spmem:s4] =	stream.linear.scatter [tilespmem:s28], [sflag:$0x2], $0x80, $0x38;
	[tilespmem:$0xA80] =	vst v63  }
0x1e: {  	s29 =	sand.u32 $0xE00, s5;
	_ =	swait.ge [sflag:s26], $0x80  }
0x1f: {  	s5 =	sand.u32 $0x70, s5;
	s6 =	sshrl.u32 s29, $0x2;
	[sflag:s26] =	ssyncset.done $0x0  }
0x20: {  	s5 =	sor.u32 s5, s6;
	[sflag:s26] =	ssyncadd.s32 $0xFFFFFF80  }
0x21: {  	v1 =	vld [tilespmem:s5+$0x400]  }
0x22: {  	v0 =	vld [tilespmem:s5+$0x0];
	_ =	sdelay $0x2  }
0x23: {  	s30 =	simm.s32 $0x40  }
0x24: {  	s31 =	sand.u32 $0xE00, s30;
	s3 =	sadd.s32 $0xE00, s3;
	s6 =	simm.s32 $0x10  }
0x25: {  	s9 =	sshrl.u32 s31, $0x2;
	s7 =	simm.s32 $0x80;
	s8 =	sand.u32 $0x70, s6;
	vm0 =	veq.s32 v0, v1;
	v1 =	vadd.s32 $0x400, v0  }
.LBB2_1:
0x26: {  	p0 =	sne.s32 s7, $0xFC0;
	s8 =	sor.u32 s8, s9;
	v0 =	vsel vm0, v1, v0  }
0x27: {  	v1 =	vld [tilespmem:s8+$0x400];
	[tilespmem:s5+$0x0] =	vst v0;
	s5 =	smov.u32 s8  }
0x28: {  	v0 =	vld [tilespmem:s5+$0x0]  }
.Ltmp0:
0x29: {  	(pc) =	sbr.rel @p0 .LBB2_1-.Ltmp0, $3  }
0x2a: {  	_ =	sdelay $0x1  }
0x2b: {  	s9 =	sand.u32 $0xE00, s7;
	s6 =	sadd.s32 $0x10, s6  }
0x2c: {  	s7 =	sadd.s32 $0x40, s7;
	s8 =	sand.u32 $0x70, s6;
	s9 =	sshrl.u32 s9, $0x2;
	vm0 =	veq.s32 v0, v1;
	v1 =	vadd.s32 $0x400, v0  }
0x2d: {  	s6 =	sor.u32 s8, s9;
	v0 =	vsel vm0, v1, v0  }
0x2e: {  	v62 =	vld [tilespmem:s6+$0x400];
	[tilespmem:s5+$0x0] =	vst v0  }
0x2f: {  	v0 =	vld [tilespmem:s6+$0x0];
	_ =	sdelay $0x4  }
0x30: {  	vm15 =	veq.s32 v0, v62;
	v63 =	vadd.s32 $0x400, v0  }
0x31: {  	v0 =	vsel vm15, v63, v0  }
0x32: {  	s22 =	simm.s32 $0x80;
	[tilespmem:s6+$0x0] =	vst v0  }
0x33: {  	s23 =	simm.s32 $0x0;
	s7 =	simm.s32 $0x800;
	[bflag:$0x0] =	sbarrier.arrive $0xFFFF  }
0x34: {  	[spmem:s2] =	stream.indirect.scatter.add.f32 [tilespmem:s7], [sflag:$0x1], $0x1, s23, s22, $0xb8;
	[tilespmem:$0xA80] =	vst v63  }
0x35: {  	_ = 	snop  }
0x36: {  	[spmem:s2] =	stream.indirect.scatter.add.f32 [tilespmem:s7], [sflag:$0x1], $0x1, s22, s22, $0xb8;
	[tilespmem:$0xA80] =	vst v63  }
0x37: {  	s24 =	simm.s32 $0x100  }
0x38: {  	[spmem:s2] =	stream.indirect.scatter.add.f32 [tilespmem:s7], [sflag:$0x1], $0x1, s24, s22, $0xb8;
	[tilespmem:$0xA80] =	vst v63  }
0x39: {  	s25 =	simm.s32 $0x180  }
0x3a: {  	[spmem:s2] =	stream.indirect.scatter.add.f32 [tilespmem:s7], [sflag:$0x1], $0x1, s25, s22, $0xb8;
	[tilespmem:$0xA80] =	vst v63  }
0x3b: {  	s26 =	simm.s32 $0x200  }
0x3c: {  	[spmem:s2] =	stream.indirect.scatter.add.f32 [tilespmem:s7], [sflag:$0x1], $0x1, s26, s22, $0xb8;
	[tilespmem:$0xA80] =	vst v63  }
0x3d: {  	s28 =	simm.s32 $0x280  }
0x3e: {  	[spmem:s2] =	stream.indirect.scatter.add.f32 [tilespmem:s7], [sflag:$0x1], $0x1, s28, s22, $0xb8;
	[tilespmem:$0xA80] =	vst v63  }
0x3f: {  	s29 =	simm.s32 $0x300  }
0x40: {  	[spmem:s2] =	stream.indirect.scatter.add.f32 [tilespmem:s7], [sflag:$0x1], $0x1, s29, s22, $0xb8;
	[tilespmem:$0xA80] =	vst v63  }
0x41: {  	s30 =	simm.s32 $0x380;
	s31 =	simm.s32 $0x1  }
0x42: {  	[spmem:s2] =	stream.indirect.scatter.add.f32 [tilespmem:s7], [sflag:$0x1], $0x1, s30, s22, $0xb8;
	[tilespmem:$0xA80] =	vst v63  }
0x43: {  	_ =	swait.ge [sflag:s31], $0x80  }
0x44: {  	[sflag:s31] =	ssyncset.done $0x0  }
0x45: {  	[sflag:s31] =	ssyncadd.s32 $0xFFFFFF80  }
0x46: {  	_ =	swait.ge [sflag:s31], $0x80  }
0x47: {  	[sflag:s31] =	ssyncset.done $0x0  }
0x48: {  	[sflag:s31] =	ssyncadd.s32 $0xFFFFFF80  }
0x49: {  	_ =	swait.ge [sflag:s31], $0x80  }
0x4a: {  	[sflag:s31] =	ssyncset.done $0x0  }
0x4b: {  	[sflag:s31] =	ssyncadd.s32 $0xFFFFFF80  }
0x4c: {  	_ =	swait.ge [sflag:s31], $0x80  }
0x4d: {  	[sflag:s31] =	ssyncset.done $0x0  }
0x4e: {  	[sflag:s31] =	ssyncadd.s32 $0xFFFFFF80  }
0x4f: {  	_ =	swait.ge [sflag:s31], $0x80  }
0x50: {  	[sflag:s31] =	ssyncset.done $0x0  }
0x51: {  	[sflag:s31] =	ssyncadd.s32 $0xFFFFFF80  }
0x52: {  	_ =	swait.ge [sflag:s31], $0x80  }
0x53: {  	[sflag:s31] =	ssyncset.done $0x0  }
0x54: {  	[sflag:s31] =	ssyncadd.s32 $0xFFFFFF80  }
0x55: {  	_ =	swait.ge [sflag:s31], $0x80  }
0x56: {  	[sflag:s31] =	ssyncset.done $0x0  }
0x57: {  	p0 =	sgt.u32 s1, $0x6;
	[sflag:s31] =	ssyncadd.s32 $0xFFFFFF80  }
.Ltmp1:
0x58: {  	_ =	swait.ge [sflag:s31], $0x80;
	(pc) =	sbr.rel @p0 .LBB2_4-.Ltmp1, $3  }
0x59: {  	[sflag:s31] =	ssyncset.done $0x0  }
0x5a: {  	[sflag:s31] =	ssyncadd.s32 $0xFFFFFF80  }
0x5b: {  	[bflag:$0x0] =	sbarrier.arrive $0xFFFF;
	_ =	sdelay $0x1  }
0x5c: {  	s2 =	sadd.s32 $0x400, s4;
	s29 =	sshll.u32 s1, $0x4  }
0x5d: {  	s5 =	sshll.u32 s1, $0x6;
	s31 =	simm.s32 $0x2;
	s3 =	sadd.s32 s3, s29  }
.Ltmp2:
0x5e: {  	s30 =	sor.u32 $0x1C02, s5;
	s2 =	sshrl.u32 s2, $0x3;
	(pc) =	sbr.rel .LBB2_5-.Ltmp2, $4  }
0x5f: {  	[hbm:s3], [sflag:s30] =	dma.local [spmem:s2], $0x10  }
0x60: {  	_ =	swait.ge [sflag:s31], $0x10  }
0x61: {  	[sflag:s31] =	ssyncset.done $0x0  }
0x62: {  	[sflag:s31] =	ssyncadd.s32 $0xFFFFFFF0  }
.LBB2_4:
0x63: {  	s4 =	sand.u32 $0x7, s1  }
0x64: {  	p0 =	sne.s32 s1, $0x7;
	s5 =	sshll.u32 s4, $0x7  }
0x65: {  	s6 =	simm.s32 @p0 $0x900;
	s5 =	sadd.s32 s5, s2  }
0x66: {  	[tilespmem:s6], [sflag:$0x2] =	stream.linear.gather @p0 [spmem:s5], $0x80, $0x38;
	[tilespmem:$0xA80] =	vst v63  }
0x67: {  	s6 =	simm.s32 @p0 $0x2  }
0x68: {  	_ =	swait.ge @p0 [sflag:s6], $0x80  }
0x69: {  	[sflag:s6] =	ssyncset.done @p0 $0x0  }
0x6a: {  	s7 =	simm.s32 @p0 $0x980;
	s5 =	sadd.s32 $0x400, s5;
	[sflag:s6] =	ssyncadd.s32 @p0 $0xFFFFFF80  }
0x6b: {  	[tilespmem:s7], [sflag:$0x2] =	stream.linear.gather @p0 [spmem:s5], $0x80, $0x38;
	[tilespmem:$0xA80] =	vst v63  }
0x6c: {  	_ =	swait.ge @p0 [sflag:s6], $0x80  }
0x6d: {  	[sflag:s6] =	ssyncset.done @p0 $0x0  }
0x6e: {  	[sflag:s6] =	ssyncadd.s32 @p0 $0xFFFFFF80  }
0x6f: {  	v0 =	vld @p0 [tilespmem:$0x900]  }
0x70: {  	v1 =	vld @p0 [tilespmem:$0x980]  }
0x71: {  	v2 =	vld @p0 [tilespmem:$0x910]  }
0x72: {  	v3 =	vld @p0 [tilespmem:$0x990]  }
0x73: {  	v4 =	vld @p0 [tilespmem:$0x920]  }
0x74: {  	v5 =	vld @p0 [tilespmem:$0x9A0]  }
0x75: {  	v6 =	vld @p0 [tilespmem:$0x930]  }
0x76: {  	v7 =	vld @p0 [tilespmem:$0x9B0]  }
0x77: {  	v8 =	vld @p0 [tilespmem:$0x940]  }
0x78: {  	v9 =	vld @p0 [tilespmem:$0x9C0]  }
0x79: {  	v10 =	vld @p0 [tilespmem:$0x950]  }
0x7a: {  	v11 =	vld @p0 [tilespmem:$0x9D0]  }
0x7b: {  	v12 =	vld @p0 [tilespmem:$0x960]  }
0x7c: {  	v0 =	vadd.f32 @p0 v1, v0;
	v1 =	vld @p0 [tilespmem:$0x9E0]  }
0x7d: {  	v2 =	vadd.f32 @p0 v3, v2;
	v3 =	vld @p0 [tilespmem:$0x970]  }
0x7e: {  	[tilespmem:$0x900] =	vst @p0 v0;
	v0 =	vadd.f32 @p0 v5, v4;
	v4 =	vld @p0 [tilespmem:$0x9F0]  }
0x7f: {  	[tilespmem:$0x910] =	vst @p0 v2;
	v2 =	vadd.f32 @p0 v7, v6  }
0x80: {  	[tilespmem:$0x920] =	vst @p0 v0;
	v0 =	vadd.f32 @p0 v9, v8  }
0x81: {  	[tilespmem:$0x930] =	vst @p0 v2;
	v2 =	vadd.f32 @p0 v11, v10  }
0x82: {  	s5 =	sadd.s32 $0xFFFFFFF8, s1;
	[tilespmem:$0x940] =	vst @p0 v0;
	v0 =	vadd.f32 @p0 v1, v12  }
0x83: {  	p1 =	sgt.u32 @p0 s5, $0x6;
	[tilespmem:$0x950] =	vst @p0 v2;
	v1 =	vadd.f32 @p0 v4, v3  }
0x84: {  	p2 =	por !p1, !p0;
	[tilespmem:$0x960] =	vst @p0 v0  }
0x85: {  	s5 =	sadd.s32 $0xED, s3;
	s6 =	simm.s32 @!p2 $0x0;
	s7 =	simm.s32 @!p2 $0x900;
	[tilespmem:$0x970] =	vst @p0 v1  }
0x86: {  	[hbm4b:s5+s6] =	stream.linear.scatter @!p2 [tilespmem:s7], [sflag:$0x2], $0x68, $0x38;
	[tilespmem:$0xA80] =	vst v63  }
0x87: {  	s4 =	sshll.u32 s4, $0x4;
	s5 =	simm.s32 @!p2 $0x2  }
0x88: {  	s4 =	sadd.s32 s4, s3;
	_ =	swait.ge @!p2 [sflag:s5], $0x68  }
0x89: {  	s4 =	sadd.s32 $0x7D, s4;
	p1 =	por p1, !p0;
	[sflag:s5] =	ssyncset.done @!p2 $0x0  }
0x8a: {  	s6 =	simm.s32 @!p1 $0x900;
	[sflag:s5] =	ssyncadd.s32 @!p2 $0xFFFFFF98;
	s5 =	simm.s32 @!p1 $0x0  }
0x8b: {  	[hbm4b:s4+s5] =	stream.linear.scatter @!p1 [tilespmem:s6], [sflag:$0x2], $0x80, $0x38;
	[tilespmem:$0xA80] =	vst v63  }
0x8c: {  	s4 =	simm.s32 @!p1 $0x2  }
0x8d: {  	_ =	swait.ge @!p1 [sflag:s4], $0x80  }
0x8e: {  	[sflag:s4] =	ssyncset.done @!p1 $0x0  }
0x8f: {  	s2 =	sadd.s32 $0x780, s2;
	[sflag:s4] =	ssyncadd.s32 @!p1 $0xFFFFFF80;
	s4 =	simm.s32 @!p0 $0x900  }
0x90: {  	[tilespmem:s4], [sflag:$0x2] =	stream.linear.gather @!p0 [spmem:s2], $0x80, $0x38;
	[tilespmem:$0xA80] =	vst v63  }
0x91: {  	s2 =	simm.s32 @!p0 $0x2  }
0x92: {  	_ =	swait.ge @!p0 [sflag:s2], $0x80  }
0x93: {  	[sflag:s2] =	ssyncset.done @!p0 $0x0  }
0x94: {  	s3 =	sadd.s32 $0x70, s3;
	s5 =	simm.s32 @!p0 $0x0;
	[sflag:s2] =	ssyncadd.s32 @!p0 $0xFFFFFF80  }
0x95: {  	[hbm4b:s3+s5] =	stream.linear.scatter @!p0 [tilespmem:s4], [sflag:$0x2], $0x68, $0x38;
	[tilespmem:$0xA80] =	vst v63  }
0x96: {  	_ =	swait.ge @!p0 [sflag:s2], $0x68  }
0x97: {  	[sflag:s2] =	ssyncset.done @!p0 $0x0  }
0x98: {  	[sflag:s2] =	ssyncadd.s32 @!p0 $0xFFFFFF98  }
.LBB2_5:
0x99: {  	_ =	sfence.sel $0x180000  }
0x9a: {  	[bflag:$0x0] =	sbarrier.arrive $0xFFFF  }
0x9b: {  	p0 =	sne.s32 s1, $0x0;
	_ =	strace $0x90000047  }
0x9c: {  	s0 =	sadd.s32 @!p0 $0x100000, s0;
	[bflag:$0x2] =	sbarrier.arrive $0xFFFF  }
0x9d: {  	[sflag:s0] =	ssyncadd.tile.s32 @!p0 $0x1;
	_ =	shalt  }
.Lfunc_end2:
_tile_overlayer_lowered:
.L_overlay_start_2:
0x9e: {  	(tag) =	ssettag $0x2  }
0x9f: {  	s0 =	rddreg [dreg:$0x0];
	s2 =	stileid.u32  }
0xa0: {  	s1 =	rddreg [dreg:$0x1];
	p0 =	sne.s32 s2, $0x0  }
0xa1: {  	s3 =	rddreg [dreg:$0x2];
	[bflag:$0x3] =	sbarrier.arrive $0xFFFF;
	s2 =	simm.s32 @!p0 $0x1C02  }
0xa2: {  	[timem:s3], [sflag:s2] =	dma.local @!p0 [hbm:s0], s1  }
0xa3: {  	s0 =	simm.s32 @!p0 $0x2  }
0xa4: {  	_ =	swait.ge @!p0 [sflag:s0], s1  }
0xa5: {  	s1 =	ssub.s32 @!p0 $0x0, s1;
	[sflag:s0] =	ssyncset.done @!p0 $0x0  }
0xa6: {  	[sflag:s0] =	ssyncadd.s32 @!p0 s1  }
0xa7: {  	[bflag:$0x3] =	sbarrier.arrive $0xFFFF  }
0xa8: {  	_ =	shalt  }

</sc_bundles>
